<compile_context>
chip_gen: v7x
topology: tpu7x:2x2x1
jax: 0.10.2.dev20260603
libtpu: 0.0.44.dev20260713+nightly
codegen_flags: <defaults>
</compile_context>

<pallas_src>
import functools

import numpy as np
import jax
import jax.numpy as jnp
from jax import lax
from jax.experimental import pallas as pl
from jax.experimental.pallas import tpu as pltpu, tpu_sc as plsc

N_ATOMS = 100000
N_GRAPHS = 2048
D_HIDDEN = 128
EMB = 64
HID = 256
NUM_TARGETS = EMB * 2 + 12
BLK = 1024
NBLK = (N_ATOMS + BLK - 1) // BLK
N_PAD = NBLK * BLK
TILE = 128
NT = N_PAD // TILE
NC, NS = 2, 16
NW = NC * NS
MAXT = (NT + NW - 1) // NW
C_TAB = 16
C_S1 = 72
C_P1 = 8

@functools.cache
def _mesh():
    return plsc.VectorSubcoreMesh(core_axis_name="c", subcore_axis_name="s",
                                  num_cores=NC, num_subcores=NS)

def _eps():
    return jax.random.normal(jax.random.key(42), (N_ATOMS, EMB),
                             dtype=jnp.float32)


def _dot(a, b):
    return jnp.dot(a, b, preferred_element_type=jnp.float32)



def _sc_scatter_kernel(src_hbm, idx_hbm, zeros_hbm, out_hbm,
                       idx_v, rows_v, acc_sh):
    c = lax.axis_index("c")
    s = lax.axis_index("s")
    w = s * NC + c
    zb = N_GRAPHS // NS
    pltpu.sync_copy(zeros_hbm.at[pl.ds(s * zb, zb)], rows_v)
    pltpu.sync_copy(rows_v, acc_sh.at[pl.ds(s * zb, zb)])
    plsc.subcore_barrier()

    def body(j, carry):
        t = w + j * NW

        @pl.when(t < NT)
        def _():
            pltpu.sync_copy(idx_hbm.at[pl.ds(t, 1)], idx_v)
            pltpu.sync_copy(src_hbm.at[pl.ds(t * TILE, TILE)], rows_v)
            pltpu.sync_copy(rows_v, acc_sh.at[idx_v.at[0]], add=True)
        return carry

    lax.fori_loop(0, MAXT, body, 0)
    plsc.subcore_barrier()
    pltpu.sync_copy(acc_sh.at[pl.ds(s * zb, zb)], rows_v)
    pltpu.sync_copy(rows_v,
                    out_hbm.at[pl.ds(c * N_GRAPHS + s * zb, zb)])


@functools.cache
def _make_sc_scatter(cols):
    return pl.kernel(
        _sc_scatter_kernel,
        out_type=jax.ShapeDtypeStruct((NC * N_GRAPHS, cols), jnp.float32),
        mesh=_mesh(),
        compiler_params=pltpu.CompilerParams(use_tc_tiling_on_sc=False),
        scratch_types=[
            pltpu.VMEM((1, TILE), jnp.int32),
            pltpu.VMEM((TILE, cols), jnp.float32),
            pltpu.VMEM_SHARED((N_GRAPHS, cols), jnp.float32),
        ],
    )


def _sc_gather_body(table_hbm, idx_hbm, out_hbm, idx_v, rows_v, sem):
    c = lax.axis_index("c")
    s = lax.axis_index("s")
    w = s * NC + c

    def body(j, carry):
        t = w + j * NW

        @pl.when(t < NT)
        def _():
            pltpu.sync_copy(idx_hbm.at[pl.ds(t, 1)], idx_v)
            pltpu.async_copy(table_hbm.at[idx_v.at[0]], rows_v, sem).wait()
            pltpu.sync_copy(rows_v, out_hbm.at[pl.ds(t * TILE, TILE)])
        return carry

    lax.fori_loop(0, MAXT, body, 0)


@functools.cache
def _sc_gather():
    return pl.kernel(
        _sc_gather_body,
        out_type=jax.ShapeDtypeStruct((N_PAD, C_TAB), jnp.float32),
        mesh=_mesh(),
        compiler_params=pltpu.CompilerParams(use_tc_tiling_on_sc=False),
        scratch_types=[
            pltpu.VMEM((1, TILE), jnp.int32),
            pltpu.VMEM((TILE, C_TAB), jnp.float32),
            pltpu.SemaphoreType.DMA,
        ],
    )



def _graph_prep(len_ref, ang_ref, w1l_ref, w1a_ref, b1_ref, w2_ref, b2_ref,
                w3_ref, b3_ref, L_ref, lp_ref):
    l = 1.0 + 4.0 * len_ref[...]
    a = 60.0 + 60.0 * ang_ref[...]
    ar = a * (np.pi / 180.0)
    cos = jnp.cos(ar)
    sin = jnp.sin(ar)
    c0, c1, c2 = cos[:, 0:1], cos[:, 1:2], cos[:, 2:3]
    s0, s1 = sin[:, 0:1], sin[:, 1:2]
    val = jnp.clip((c0 * c1 - c2) / (s0 * s1), -1.0, 1.0)
    cg = val
    sg = jnp.sqrt(jnp.maximum(1.0 - val * val, 0.0))
    l0, l1, l2 = l[:, 0:1], l[:, 1:2], l[:, 2:3]
    zero = jnp.zeros_like(l0)
    L00, L01, L02 = l0 * s1, zero, l0 * c1
    L10, L11, L12 = -l1 * s0 * cg, l1 * s0 * sg, l1 * c0
    L20, L21, L22 = zero, zero, l2
    L_ref[...] = jnp.concatenate(
        [L00, L01, L02, L10, L11, L12, L20, L21, L22], axis=1)
    h = jnp.maximum(_dot(l, w1l_ref[...]) + _dot(a, w1a_ref[...]) + b1_ref[...], 0.0)
    h = jnp.maximum(_dot(h, w2_ref[...]) + b2_ref[...], 0.0)
    lp_ref[...] = _dot(h, w3_ref[...]) + b3_ref[...]


def _graph_mid(L_ref, acc_a_ref, acc_b_ref, tab_ref):
    sums = acc_a_ref[...] + acc_b_ref[...]
    cnt = jnp.maximum(sums[:, 3:4], 1.0)
    f0 = sums[:, 0:1] / cnt
    f1 = sums[:, 1:2] / cnt
    f2 = sums[:, 2:3] / cnt
    L = L_ref[...]
    a0 = f0 * L[:, 0:1] + f1 * L[:, 3:4] + f2 * L[:, 6:7]
    a1 = f0 * L[:, 1:2] + f1 * L[:, 4:5] + f2 * L[:, 7:8]
    a2 = f0 * L[:, 2:3] + f1 * L[:, 5:6] + f2 * L[:, 8:9]
    pad = jnp.zeros((N_GRAPHS, C_TAB - 13), jnp.float32)
    tab_ref[...] = jnp.concatenate([L, a0, a1, a2, cnt, pad], axis=1)


def _pass_loss(f_ref, p_ref, gat_ref, ls_ref):
    i = pl.program_id(0)
    g = jnp.transpose(gat_ref[...])
    f = jnp.transpose(f_ref[...])
    fx, fy, fz = f[0:1], f[1:2], f[2:3]
    i27 = jax.lax.broadcasted_iota(jnp.int32, (27, BLK), 0)
    ux = (i27 // 9 - 1).astype(jnp.float32)
    uy = ((i27 // 3) % 3 - 1).astype(jnp.float32)
    uz = (i27 % 3 - 1).astype(jnp.float32)
    wx = fx - ux
    wy = fy - uy
    wz = fz - uz
    c0 = wx * g[0:1] + wy * g[3:4] + wz * g[6:7] - g[9:10]
    c1 = wx * g[1:2] + wy * g[4:5] + wz * g[7:8] - g[10:11]
    c2 = wx * g[2:3] + wy * g[5:6] + wz * g[8:9] - g[11:12]
    dsqr = c0 * c0 + c1 * c1 + c2 * c2
    m = jnp.min(dsqr, axis=0, keepdims=True)
    kmin = jnp.min(jnp.where(dsqr <= m, i27, 27), axis=0, keepdims=True)
    oh = (i27 == kmin).astype(jnp.float32)
    mv0 = jnp.sum(oh * c0, axis=0, keepdims=True)
    mv1 = jnp.sum(oh * c1, axis=0, keepdims=True)
    mv2 = jnp.sum(oh * c2, axis=0, keepdims=True)
    p = jnp.transpose(p_ref[...])
    q0 = mv0 - p[0:1]
    q1 = mv1 - p[1:2]
    q2 = mv2 - p[2:3]
    lpa = q0 * q0 + q1 * q1 + q2 * q2
    lossd = (0.5 * lpa * lpa) / g[12:13]
    lane = jax.lax.broadcasted_iota(jnp.int32, (1, BLK), 1)
    lmask = (i * BLK + lane) < N_ATOMS
    lsum = jnp.sum(jnp.where(lmask, lossd, 0.0), axis=1, keepdims=True)

    @pl.when(i == 0)
    def _():
        ls_ref[...] = jnp.zeros_like(ls_ref)

    ls_ref[...] += lsum


def _pass_vae(hid_ref, eps_ref, wm_ref, wl_ref, bm_ref, bl_ref,
              w1z_ref, w1v_ref, out_ref):
    i = pl.program_id(0)
    h = hid_ref[...]
    mu = _dot(h, wm_ref[...]) + bm_ref[...]
    lv = _dot(h, wl_ref[...]) + bl_ref[...]
    std = jnp.exp(0.5 * lv)
    z = eps_ref[...] * std + mu
    s1 = _dot(z, w1z_ref[...]) + _dot(lv, w1v_ref[...])
    gi = i * BLK + jax.lax.broadcasted_iota(jnp.int32, (BLK, 1), 0)
    valid = gi < N_ATOMS
    pad = jnp.zeros((BLK, C_S1 - 70), jnp.float32)
    out_ref[...] = jnp.concatenate([jnp.where(valid, s1, 0.0), pad], axis=1)


def _head(a2_ref, b2_ref, a1_ref, b1c_ref, lp_ref, ls_ref, w1p_ref, b1_ref,
          w2_ref, b2w_ref, w3_ref, b3_ref, w4_ref, b4_ref, out_ref, cl_ref):
    sums1 = a1_ref[...] + b1c_ref[...]
    cnt = jnp.maximum(sums1[:, 3:4], 1.0)
    s2 = a2_ref[...] + b2_ref[...]
    f1 = s2[:, 0:70] / cnt + _dot(lp_ref[...], w1p_ref[...]) + b1_ref[...]
    f1 = jnp.where(f1 > 0, f1, 0.01 * f1)
    f2 = _dot(f1, w2_ref[...]) + b2w_ref[...]
    f2 = jnp.where(f2 > 0, f2, 0.01 * f2)
    f3 = _dot(f2, w3_ref[...]) + b3_ref[...]
    f3 = jnp.where(f3 > 0, f3, 0.01 * f3)
    out_ref[...] = _dot(f3, w4_ref[...]) + b4_ref[...]
    cl_ref[...] = ls_ref[0:1, 0:1] * (1.0 / N_GRAPHS)


def kernel(hidden, frac_coords, lengths, angles, pred_cart_coord_diff,
           batch_idx, params):
    f32 = jnp.float32
    B = N_GRAPHS
    row = lambda v: v.reshape(1, -1)
    p = params

    bidx = batch_idx.astype(jnp.int32)
    idx2d = jnp.pad(bidx, (0, N_PAD - N_ATOMS)).reshape(NT, TILE)
    ones = jnp.ones((N_ATOMS, 1), f32)
    frac8 = jnp.pad(jnp.concatenate([frac_coords, ones], axis=1),
                    ((0, N_PAD - N_ATOMS), (0, C_P1 - 4)))
    z8 = jnp.zeros((B, C_P1), f32)
    z72 = jnp.zeros((B, C_S1), f32)

    L, lat_pred = pl.pallas_call(
        _graph_prep,
        out_shape=[jax.ShapeDtypeStruct((B, 9), f32),
                   jax.ShapeDtypeStruct((B, 12), f32)],
    )(lengths, angles, p['lat1_w'][:3], p['lat1_w'][3:], row(p['lat1_b']),
      p['lat2_w'], row(p['lat2_b']), p['lat3_w'], row(p['lat3_b']))

    acc1 = _make_sc_scatter(C_P1)(frac8, idx2d, z8)

    table = pl.pallas_call(
        _graph_mid,
        out_shape=jax.ShapeDtypeStruct((B, C_TAB), f32),
    )(L, acc1[:B], acc1[B:])

    gathered = _sc_gather()(table, idx2d)

    full = lambda s: pl.BlockSpec(s, lambda i: (0, 0))
    blk = lambda c: pl.BlockSpec((BLK, c), lambda i: (i, 0))

    s1 = pl.pallas_call(
        _pass_vae,
        grid=(NBLK,),
        in_specs=[blk(D_HIDDEN), blk(EMB),
                  full((D_HIDDEN, EMB)), full((D_HIDDEN, EMB)),
                  full((1, EMB)), full((1, EMB)),
                  full((EMB, 70)), full((EMB, 70))],
        out_specs=blk(C_S1),
        out_shape=jax.ShapeDtypeStruct((N_PAD, C_S1), f32),
    )(hidden, _eps(),
      p['emb1_w'][:, :EMB], p['emb1_w'][:, EMB:],
      row(p['emb1_b'][:EMB]), row(p['emb1_b'][EMB:]),
      p['out1_w'][:EMB], p['out1_w'][EMB:2 * EMB])

    lsum = pl.pallas_call(
        _pass_loss,
        grid=(NBLK,),
        in_specs=[blk(3), blk(3), blk(C_TAB)],
        out_specs=pl.BlockSpec((1, 128), lambda i: (0, 0)),
        out_shape=jax.ShapeDtypeStruct((1, 128), f32),
    )(frac_coords, pred_cart_coord_diff, gathered)

    acc2 = _make_sc_scatter(C_S1)(s1, idx2d, z72)

    out, cl = pl.pallas_call(
        _head,
        out_shape=[jax.ShapeDtypeStruct((B, 1), f32),
                   jax.ShapeDtypeStruct((1, 1), f32)],
    )(acc2[:B], acc2[B:], acc1[:B], acc1[B:], lat_pred, lsum,
      p['out1_w'][2 * EMB:], row(p['out1_b']),
      p['out2_w'], row(p['out2_b']),
      p['out3_w'], row(p['out3_b']),
      p['out4_w'], row(p['out4_b']))

    return out, cl.reshape(())

# --- scband reference (transcript-rebuilt; emitter-appended) ---
"""Pipeline reference for scband-finetune-ende-89524298318574 (READ-ONLY COPY).

The authoritative reference and input builder live on the scoring server;
editing this copy changes nothing except your own understanding.
"""

import jax, jax.numpy as jnp
import numpy as np

N_ATOMS = 100000
N_GRAPHS = 2048
D_HIDDEN = 128
EMB = 64
HID = 256
NUM_TARGETS = EMB * 2 + 12

OFFSET_LIST = np.array([[i, j, k] for i in (-1, 0, 1) for j in (-1, 0, 1) for k in (-1, 0, 1)], dtype=np.float32)


def _lin(key, din, dout):
    w = jax.random.normal(key, (din, dout), dtype=jnp.float32) * (1.0 / np.sqrt(din))
    return w, jnp.zeros((dout,), dtype=jnp.float32)


def setup_inputs(seed: int = 0):
    key = jax.random.key(seed)
    ks = jax.random.split(key, 16)
    hidden = jax.random.normal(ks[0], (N_ATOMS, D_HIDDEN), dtype=jnp.float32)
    frac_coords = jax.random.uniform(ks[1], (N_ATOMS, 3), dtype=jnp.float32)
    lengths = jax.random.uniform(ks[2], (N_GRAPHS, 3), dtype=jnp.float32)
    angles = jax.random.uniform(ks[3], (N_GRAPHS, 3), dtype=jnp.float32)
    pred_cart_coord_diff = jax.random.normal(ks[4], (N_ATOMS, 3), dtype=jnp.float32)
    batch_idx = jnp.sort(jax.random.randint(ks[5], (N_ATOMS,), 0, N_GRAPHS))
    params = {}
    params['lat1_w'], params['lat1_b'] = _lin(ks[6], 6, HID)
    params['lat2_w'], params['lat2_b'] = _lin(ks[7], HID, HID)
    params['lat3_w'], params['lat3_b'] = _lin(ks[8], HID, 12)
    params['emb1_w'], params['emb1_b'] = _lin(ks[9], D_HIDDEN, EMB * 2)
    params['out1_w'], params['out1_b'] = _lin(ks[10], NUM_TARGETS, NUM_TARGETS // 2)
    params['out2_w'], params['out2_b'] = _lin(ks[11], NUM_TARGETS // 2, NUM_TARGETS // 4)
    params['out3_w'], params['out3_b'] = _lin(ks[12], NUM_TARGETS // 4, NUM_TARGETS // 8)
    params['out4_w'], params['out4_b'] = _lin(ks[13], NUM_TARGETS // 8, 1)
    return {"hidden": hidden, "frac_coords": frac_coords, "lengths": lengths, "angles": angles, "pred_cart_coord_diff": pred_cart_coord_diff, "batch_idx": batch_idx, "params": params}


def lattice_params_to_matrix(lengths, angles):
    angles_r = jnp.deg2rad(angles)
    coses = jnp.cos(angles_r)
    sins = jnp.sin(angles_r)
    val = (coses[:, 0] * coses[:, 1] - coses[:, 2]) / (sins[:, 0] * sins[:, 1])
    val = jnp.clip(val, -1.0, 1.0)
    gamma_star = jnp.arccos(val)
    zeros = jnp.zeros_like(lengths[:, 0])
    va = jnp.stack([lengths[:, 0] * sins[:, 1], zeros, lengths[:, 0] * coses[:, 1]], axis=1)
    vb = jnp.stack([-lengths[:, 1] * sins[:, 0] * jnp.cos(gamma_star), lengths[:, 1] * sins[:, 0] * jnp.sin(gamma_star), lengths[:, 1] * coses[:, 0]], axis=1)
    vc = jnp.stack([zeros, zeros, lengths[:, 2]], axis=1)
    return jnp.stack([va, vb, vc], axis=1)


def _forward(hidden, frac_coords, lengths, angles, pred_cart_coord_diff, batch_idx, params):
    # scale raw uniform inputs to physically valid lattice params
    lengths_s = 1.0 + 4.0 * lengths
    angles_s = 60.0 + 60.0 * angles
    lattice = lattice_params_to_matrix(lengths_s, angles_s)  # [B,3,3]
    lat_nodes = lattice[batch_idx]  # repeat_interleave(lattice, num_atoms) equivalent (batch_idx sorted)
    target_cart = jnp.einsum('bi,bij->bj', frac_coords, lat_nodes)  # frac_to_cart_coords
    counts = jnp.maximum(jnp.bincount(batch_idx, length=N_GRAPHS), 1).astype(jnp.float32)
    cart_avg = jax.ops.segment_sum(target_cart, batch_idx, num_segments=N_GRAPHS) / counts[:, None]  # scatter mean
    cart_avg_atom = cart_avg[batch_idx]
    # min_distance_sqr_pbc with return_vector=True
    unit_cell = jnp.asarray(OFFSET_LIST)  # [27,3]
    data_cell = jnp.swapaxes(lattice, 1, 2)  # [B,3,3]
    pbc_offsets = jnp.einsum('bij,kj->bik', data_cell, unit_cell)  # [B,3,27]
    off_atom = pbc_offsets[batch_idx]  # [N,3,27]
    dvec = target_cart[:, :, None] - (cart_avg_atom[:, :, None] + off_atom)  # [N,3,27]
    dsqr = jnp.sum(dvec ** 2, axis=1)  # [N,27]
    min_idx = jnp.argmin(dsqr, axis=-1)
    gidx = jnp.broadcast_to(min_idx[:, None, None], (dvec.shape[0], 3, 1))
    min_vec = jnp.take_along_axis(dvec, gidx, axis=2)[:, :, 0]  # [N,3]
    loss_per_atom = jnp.sum((min_vec - pred_cart_coord_diff) ** 2, axis=1)
    loss_per_atom = 0.5 * loss_per_atom ** 2
    coord_loss = jnp.mean(jax.ops.segment_sum(loss_per_atom, batch_idx, num_segments=N_GRAPHS) / counts)
    # pred_lattice_en MLP (build_mlp(6, 256, 2, 12))
    la = jnp.concatenate([lengths_s, angles_s], axis=1)  # [B,6]
    h = jax.nn.relu(la @ params['lat1_w'] + params['lat1_b'])
    h = jax.nn.relu(h @ params['lat2_w'] + params['lat2_b'])
    lat_pred = h @ params['lat3_w'] + params['lat3_b']  # [B,12]
    # fc_out_emb_linear1 -> mu/logvar -> reparameterize
    z2 = hidden @ params['emb1_w'] + params['emb1_b']  # [N,128]
    mu, logvar = z2[:, :EMB], z2[:, EMB:]
    std = jnp.exp(0.5 * logvar)
    eps = jax.random.normal(jax.random.key(42), mu.shape, dtype=jnp.float32)
    z = eps * std + mu
    node_feat = jnp.concatenate([z, logvar], axis=1)  # [N,128]
    pooled = jax.ops.segment_sum(node_feat, batch_idx, num_segments=N_GRAPHS) / counts[:, None]
    feat = jnp.concatenate([pooled, lat_pred], axis=1)  # [B,140] = num_targets
    f = jax.nn.leaky_relu(feat @ params['out1_w'] + params['out1_b'])
    f = jax.nn.leaky_relu(f @ params['out2_w'] + params['out2_b'])
    f = jax.nn.leaky_relu(f @ params['out3_w'] + params['out3_b'])
    out = f @ params['out4_w'] + params['out4_b']  # [B,1]
    return out, coord_loss


def reference(hidden, frac_coords, lengths, angles, pred_cart_coord_diff, batch_idx, params):
    return _forward(hidden, frac_coords, lengths, angles, pred_cart_coord_diff, batch_idx, params)

if __name__ == "__main__":
    import jax
    _d = setup_inputs()
    print(jax.jit(kernel)(*tuple(_d.values())))

</pallas_src>

<mosaic_0001>
#map = affine_map<(d0, d1) -> (0, 0)>
module attributes {stable_mosaic.version = 14 : i64} {
  func.func @_sc_scatter_kernel(%arg0: i32, %arg1: i32, %arg2: memref<100352x72xf32, #tpu.memory_space<hbm>>, %arg3: memref<784x128xi32, #tpu.memory_space<hbm>>, %arg4: memref<2048x72xf32, #tpu.memory_space<hbm>>, %arg5: memref<4096x72xf32, #tpu.memory_space<hbm>>, %arg6: memref<1x128xi32, #tpu.memory_space<vmem>>, %arg7: memref<128x72xf32, #tpu.memory_space<vmem>>, %arg8: memref<2048x72xf32, #tpu.memory_space<vmem_shared>>) attributes {dimension_semantics = [#tpu.dimension_semantics<core_parallel>, #tpu.dimension_semantics<subcore_parallel>], iteration_bounds = array<i64: 2, 16>, scalar_prefetch = 0 : i64, scratch_operands = 3 : i64, tpu.core_type = #tpu.core_type<sc_vector_subcore>, window_params = [{transform_indices = #map}, {transform_indices = #map}, {transform_indices = #map}, {transform_indices = #map}]} {
    %mul3A = arith.constant 2 : i32
    %mul3A_0 = arith.muli %arg1, %mul3A : i32
    %add3A = arith.addi %mul3A_0, %arg0 : i32
    %mul3A_1 = arith.constant 128 : i32
    %mul3A_2 = arith.muli %arg1, %mul3A_1 : i32
    "tpu.region"() ({
      %run_scoped3A = tpu.sem_alloc : memref<!tpu.dma_semaphore, #tpu.memory_space<semaphore_mem>>
      %dma_start3A = arith.constant 0 : i32
      %dma_start3A_18 = tpu.memref_slice %arg4[%mul3A_2, %dma_start3A] : memref<2048x72xf32, #tpu.memory_space<hbm>> -> memref<128x72xf32, #tpu.memory_space<hbm>>
      %dma_start3A_19 = arith.constant 0 : i32
      %dma_start3A_20 = tpu.memref_slice %arg4[%mul3A_2, %dma_start3A_19] : memref<2048x72xf32, #tpu.memory_space<hbm>> -> memref<128x72xf32, #tpu.memory_space<hbm>>
      tpu.enqueue_dma source(%dma_start3A_20 : memref<128x72xf32, #tpu.memory_space<hbm>>) target(%arg7 : memref<128x72xf32, #tpu.memory_space<vmem>>) target_semaphore(%run_scoped3A : memref<!tpu.dma_semaphore, #tpu.memory_space<semaphore_mem>>)
      %dma_wait3A = arith.constant 0 : i32
      %dma_wait3A_21 = tpu.memref_slice %arg4[%mul3A_2, %dma_wait3A] : memref<2048x72xf32, #tpu.memory_space<hbm>> -> memref<128x72xf32, #tpu.memory_space<hbm>>
      %dma_wait3A_22 = arith.constant 0 : i32
      %dma_wait3A_23 = tpu.memref_slice %arg4[%mul3A_2, %dma_wait3A_22] : memref<2048x72xf32, #tpu.memory_space<hbm>> -> memref<128x72xf32, #tpu.memory_space<hbm>>
      tpu.wait_dma2 semaphore(%run_scoped3A : memref<!tpu.dma_semaphore, #tpu.memory_space<semaphore_mem>>) src(%dma_wait3A_23 : memref<128x72xf32, #tpu.memory_space<hbm>>) dst(%arg7 : memref<128x72xf32, #tpu.memory_space<vmem>>)
      tpu.yield
    }) : () -> ()
    %mul3A_3 = arith.constant 128 : i32
    %mul3A_4 = arith.muli %arg1, %mul3A_3 : i32
    "tpu.region"() ({
      %run_scoped3A = tpu.sem_alloc : memref<!tpu.dma_semaphore, #tpu.memory_space<semaphore_mem>>
      %dma_start3A = arith.constant 0 : i32
      %dma_start3A_18 = tpu.memref_slice %arg8[%mul3A_4, %dma_start3A] : memref<2048x72xf32, #tpu.memory_space<vmem_shared>> -> memref<128x72xf32, #tpu.memory_space<vmem_shared>>
      %dma_start3A_19 = arith.constant 0 : i32
      %dma_start3A_20 = tpu.memref_slice %arg8[%mul3A_4, %dma_start3A_19] : memref<2048x72xf32, #tpu.memory_space<vmem_shared>> -> memref<128x72xf32, #tpu.memory_space<vmem_shared>>
      tpu.enqueue_dma source(%arg7 : memref<128x72xf32, #tpu.memory_space<vmem>>) target(%dma_start3A_20 : memref<128x72xf32, #tpu.memory_space<vmem_shared>>) target_semaphore(%run_scoped3A : memref<!tpu.dma_semaphore, #tpu.memory_space<semaphore_mem>>)
      %dma_wait3A = arith.constant 0 : i32
      %dma_wait3A_21 = tpu.memref_slice %arg8[%mul3A_4, %dma_wait3A] : memref<2048x72xf32, #tpu.memory_space<vmem_shared>> -> memref<128x72xf32, #tpu.memory_space<vmem_shared>>
      %dma_wait3A_22 = arith.constant 0 : i32
      %dma_wait3A_23 = tpu.memref_slice %arg8[%mul3A_4, %dma_wait3A_22] : memref<2048x72xf32, #tpu.memory_space<vmem_shared>> -> memref<128x72xf32, #tpu.memory_space<vmem_shared>>
      tpu.wait_dma2 semaphore(%run_scoped3A : memref<!tpu.dma_semaphore, #tpu.memory_space<semaphore_mem>>) src(%arg7 : memref<128x72xf32, #tpu.memory_space<vmem>>) dst(%dma_wait3A_23 : memref<128x72xf32, #tpu.memory_space<vmem_shared>>)
      tpu.yield
    }) : () -> ()
    %barrier3A = arith.constant 0 : index
    tpu.barrier barrier_id(%barrier3A)
    %scan3A = arith.constant 0 : i32
    %scan3A_5 = arith.constant 0 : i32
    %scan3A_6 = arith.constant 25 : i32
    %scan3A_7 = arith.addi %scan3A_5, %scan3A_6 : i32
    %scan3A_8 = arith.constant 1 : i32
    scf.for %scan3A_18 = %scan3A_5 to %scan3A_7 step %scan3A_8  : i32 {
      %mul3A_19 = arith.constant 32 : i32
      %mul3A_20 = arith.muli %scan3A_18, %mul3A_19 : i32
      %add3A_21 = arith.addi %add3A, %mul3A_20 : i32
      %lt3A = arith.constant 784 : i32
      %lt3A_22 = arith.cmpi slt, %add3A_21, %lt3A : i32
      %convert_element_type3A = arith.extui %lt3A_22 : i1 to i32
      %cond3A = arith.constant 0 : i32
      %cond3A_23 = arith.cmpi ne, %convert_element_type3A, %cond3A : i32
      scf.if %cond3A_23 {
        "tpu.region"() ({
          %run_scoped3A_26 = tpu.sem_alloc : memref<!tpu.dma_semaphore, #tpu.memory_space<semaphore_mem>>
          %dma_start3A = arith.constant 0 : i32
          %dma_start3A_27 = tpu.memref_slice %arg3[%add3A_21, %dma_start3A] : memref<784x128xi32, #tpu.memory_space<hbm>> -> memref<1x128xi32, #tpu.memory_space<hbm>>
          %dma_start3A_28 = arith.constant 0 : i32
          %dma_start3A_29 = tpu.memref_slice %arg3[%add3A_21, %dma_start3A_28] : memref<784x128xi32, #tpu.memory_space<hbm>> -> memref<1x128xi32, #tpu.memory_space<hbm>>
          tpu.enqueue_dma source(%dma_start3A_29 : memref<1x128xi32, #tpu.memory_space<hbm>>) target(%arg6 : memref<1x128xi32, #tpu.memory_space<vmem>>) target_semaphore(%run_scoped3A_26 : memref<!tpu.dma_semaphore, #tpu.memory_space<semaphore_mem>>)
          %dma_wait3A = arith.constant 0 : i32
          %dma_wait3A_30 = tpu.memref_slice %arg3[%add3A_21, %dma_wait3A] : memref<784x128xi32, #tpu.memory_space<hbm>> -> memref<1x128xi32, #tpu.memory_space<hbm>>
          %dma_wait3A_31 = arith.constant 0 : i32
          %dma_wait3A_32 = tpu.memref_slice %arg3[%add3A_21, %dma_wait3A_31] : memref<784x128xi32, #tpu.memory_space<hbm>> -> memref<1x128xi32, #tpu.memory_space<hbm>>
          tpu.wait_dma2 semaphore(%run_scoped3A_26 : memref<!tpu.dma_semaphore, #tpu.memory_space<semaphore_mem>>) src(%dma_wait3A_32 : memref<1x128xi32, #tpu.memory_space<hbm>>) dst(%arg6 : memref<1x128xi32, #tpu.memory_space<vmem>>)
          tpu.yield
        }) : () -> ()
        %mul3A_24 = arith.constant 128 : i32
        %mul3A_25 = arith.muli %add3A_21, %mul3A_24 : i32
        "tpu.region"() ({
          %run_scoped3A_26 = tpu.sem_alloc : memref<!tpu.dma_semaphore, #tpu.memory_space<semaphore_mem>>
          %dma_start3A = arith.constant 0 : i32
          %dma_start3A_27 = tpu.memref_slice %arg2[%mul3A_25, %dma_start3A] : memref<100352x72xf32, #tpu.memory_space<hbm>> -> memref<128x72xf32, #tpu.memory_space<hbm>>
          %dma_start3A_28 = arith.constant 0 : i32
          %dma_start3A_29 = tpu.memref_slice %arg2[%mul3A_25, %dma_start3A_28] : memref<100352x72xf32, #tpu.memory_space<hbm>> -> memref<128x72xf32, #tpu.memory_space<hbm>>
          tpu.enqueue_dma source(%dma_start3A_29 : memref<128x72xf32, #tpu.memory_space<hbm>>) target(%arg7 : memref<128x72xf32, #tpu.memory_space<vmem>>) target_semaphore(%run_scoped3A_26 : memref<!tpu.dma_semaphore, #tpu.memory_space<semaphore_mem>>)
          %dma_wait3A = arith.constant 0 : i32
          %dma_wait3A_30 = tpu.memref_slice %arg2[%mul3A_25, %dma_wait3A] : memref<100352x72xf32, #tpu.memory_space<hbm>> -> memref<128x72xf32, #tpu.memory_space<hbm>>
          %dma_wait3A_31 = arith.constant 0 : i32
          %dma_wait3A_32 = tpu.memref_slice %arg2[%mul3A_25, %dma_wait3A_31] : memref<100352x72xf32, #tpu.memory_space<hbm>> -> memref<128x72xf32, #tpu.memory_space<hbm>>
          tpu.wait_dma2 semaphore(%run_scoped3A_26 : memref<!tpu.dma_semaphore, #tpu.memory_space<semaphore_mem>>) src(%dma_wait3A_32 : memref<128x72xf32, #tpu.memory_space<hbm>>) dst(%arg7 : memref<128x72xf32, #tpu.memory_space<vmem>>)
          tpu.yield
        }) : () -> ()
        %run_scoped3A = arith.constant 0 : i32
        "tpu.region"() ({
          %run_scoped3A_26 = tpu.sem_alloc : memref<!tpu.dma_semaphore, #tpu.memory_space<semaphore_mem>>
          %dma_start3A = arith.constant 0 : i32
          %dma_start3A_27 = tpu.memref_slice %arg6[%run_scoped3A, %dma_start3A] : memref<1x128xi32, #tpu.memory_space<vmem>> -> memref<1x128xi32, #tpu.memory_space<vmem>>
          %dma_start3A_28 = tpu.memref_squeeze %dma_start3A_27 : memref<1x128xi32, #tpu.memory_space<vmem>> -> memref<128xi32, #tpu.memory_space<vmem>>
          %dma_start3A_29 = arith.constant 0 : i32
          %dma_start3A_30 = arith.constant 0 : i32
          %dma_start3A_31 = tpu.memref_slice %arg8[%dma_start3A_29, %dma_start3A_30] : memref<2048x72xf32, #tpu.memory_space<vmem_shared>> -> memref<2048x72xf32, #tpu.memory_space<vmem_shared>>
          tpu.enqueue_indirect_dma source(%arg7 : memref<128x72xf32, #tpu.memory_space<vmem>>) target(%dma_start3A_31 : memref<2048x72xf32, #tpu.memory_space<vmem_shared>>) offsets(%dma_start3A_28 : memref<128xi32, #tpu.memory_space<vmem>>) semaphore(%run_scoped3A_26 : memref<!tpu.dma_semaphore, #tpu.memory_space<semaphore_mem>>) {add = true}
          %dma_wait3A = arith.constant 0 : i32
          %dma_wait3A_32 = tpu.memref_slice %arg6[%run_scoped3A, %dma_wait3A] : memref<1x128xi32, #tpu.memory_space<vmem>> -> memref<1x128xi32, #tpu.memory_space<vmem>>
          %dma_wait3A_33 = tpu.memref_squeeze %dma_wait3A_32 : memref<1x128xi32, #tpu.memory_space<vmem>> -> memref<128xi32, #tpu.memory_space<vmem>>
          %dma_wait3A_34 = arith.constant 0 : i32
          %dma_wait3A_35 = arith.constant 0 : i32
          %dma_wait3A_36 = tpu.memref_slice %arg8[%dma_wait3A_34, %dma_wait3A_35] : memref<2048x72xf32, #tpu.memory_space<vmem_shared>> -> memref<2048x72xf32, #tpu.memory_space<vmem_shared>>
          tpu.wait_indirect_dma semaphore(%run_scoped3A_26 : memref<!tpu.dma_semaphore, #tpu.memory_space<semaphore_mem>>) src(%arg7 : memref<128x72xf32, #tpu.memory_space<vmem>>) dst(%dma_wait3A_36 : memref<2048x72xf32, #tpu.memory_space<vmem_shared>>)
          tpu.yield
        }) : () -> ()
      } else {
      }
    }
    %scan3A_9 = arith.constant 25 : i32
    %barrier3A_10 = arith.constant 0 : index
    tpu.barrier barrier_id(%barrier3A_10)
    %mul3A_11 = arith.constant 128 : i32
    %mul3A_12 = arith.muli %arg1, %mul3A_11 : i32
    "tpu.region"() ({
      %run_scoped3A = tpu.sem_alloc : memref<!tpu.dma_semaphore, #tpu.memory_space<semaphore_mem>>
      %dma_start3A = arith.constant 0 : i32
      %dma_start3A_18 = tpu.memref_slice %arg8[%mul3A_12, %dma_start3A] : memref<2048x72xf32, #tpu.memory_space<vmem_shared>> -> memref<128x72xf32, #tpu.memory_space<vmem_shared>>
      %dma_start3A_19 = arith.constant 0 : i32
      %dma_start3A_20 = tpu.memref_slice %arg8[%mul3A_12, %dma_start3A_19] : memref<2048x72xf32, #tpu.memory_space<vmem_shared>> -> memref<128x72xf32, #tpu.memory_space<vmem_shared>>
      tpu.enqueue_dma source(%dma_start3A_20 : memref<128x72xf32, #tpu.memory_space<vmem_shared>>) target(%arg7 : memref<128x72xf32, #tpu.memory_space<vmem>>) target_semaphore(%run_scoped3A : memref<!tpu.dma_semaphore, #tpu.memory_space<semaphore_mem>>)
      %dma_wait3A = arith.constant 0 : i32
      %dma_wait3A_21 = tpu.memref_slice %arg8[%mul3A_12, %dma_wait3A] : memref<2048x72xf32, #tpu.memory_space<vmem_shared>> -> memref<128x72xf32, #tpu.memory_space<vmem_shared>>
      %dma_wait3A_22 = arith.constant 0 : i32
      %dma_wait3A_23 = tpu.memref_slice %arg8[%mul3A_12, %dma_wait3A_22] : memref<2048x72xf32, #tpu.memory_space<vmem_shared>> -> memref<128x72xf32, #tpu.memory_space<vmem_shared>>
      tpu.wait_dma2 semaphore(%run_scoped3A : memref<!tpu.dma_semaphore, #tpu.memory_space<semaphore_mem>>) src(%dma_wait3A_23 : memref<128x72xf32, #tpu.memory_space<vmem_shared>>) dst(%arg7 : memref<128x72xf32, #tpu.memory_space<vmem>>)
      tpu.yield
    }) : () -> ()
    %mul3A_13 = arith.constant 2048 : i32
    %mul3A_14 = arith.muli %arg0, %mul3A_13 : i32
    %mul3A_15 = arith.constant 128 : i32
    %mul3A_16 = arith.muli %arg1, %mul3A_15 : i32
    %add3A_17 = arith.addi %mul3A_14, %mul3A_16 : i32
    "tpu.region"() ({
      %run_scoped3A = tpu.sem_alloc : memref<!tpu.dma_semaphore, #tpu.memory_space<semaphore_mem>>
      %dma_start3A = arith.constant 0 : i32
      %dma_start3A_18 = tpu.memref_slice %arg5[%add3A_17, %dma_start3A] : memref<4096x72xf32, #tpu.memory_space<hbm>> -> memref<128x72xf32, #tpu.memory_space<hbm>>
      %dma_start3A_19 = arith.constant 0 : i32
      %dma_start3A_20 = tpu.memref_slice %arg5[%add3A_17, %dma_start3A_19] : memref<4096x72xf32, #tpu.memory_space<hbm>> -> memref<128x72xf32, #tpu.memory_space<hbm>>
      tpu.enqueue_dma source(%arg7 : memref<128x72xf32, #tpu.memory_space<vmem>>) target(%dma_start3A_20 : memref<128x72xf32, #tpu.memory_space<hbm>>) target_semaphore(%run_scoped3A : memref<!tpu.dma_semaphore, #tpu.memory_space<semaphore_mem>>)
      %dma_wait3A = arith.constant 0 : i32
      %dma_wait3A_21 = tpu.memref_slice %arg5[%add3A_17, %dma_wait3A] : memref<4096x72xf32, #tpu.memory_space<hbm>> -> memref<128x72xf32, #tpu.memory_space<hbm>>
      %dma_wait3A_22 = arith.constant 0 : i32
      %dma_wait3A_23 = tpu.memref_slice %arg5[%add3A_17, %dma_wait3A_22] : memref<4096x72xf32, #tpu.memory_space<hbm>> -> memref<128x72xf32, #tpu.memory_space<hbm>>
      tpu.wait_dma2 semaphore(%run_scoped3A : memref<!tpu.dma_semaphore, #tpu.memory_space<semaphore_mem>>) src(%arg7 : memref<128x72xf32, #tpu.memory_space<vmem>>) dst(%dma_wait3A_23 : memref<128x72xf32, #tpu.memory_space<hbm>>)
      tpu.yield
    }) : () -> ()
    return
  }
}

#map = affine_map<(d0, d1) -> (0, 0)>
module attributes {stable_mosaic.version = 14 : i64} {
  func.func @_sc_scatter_kernel(%arg0: i32, %arg1: i32, %arg2: memref<100352x8xf32, #tpu.memory_space<hbm>>, %arg3: memref<784x128xi32, #tpu.memory_space<hbm>>, %arg4: memref<2048x8xf32, #tpu.memory_space<hbm>>, %arg5: memref<4096x8xf32, #tpu.memory_space<hbm>>, %arg6: memref<1x128xi32, #tpu.memory_space<vmem>>, %arg7: memref<128x8xf32, #tpu.memory_space<vmem>>, %arg8: memref<2048x8xf32, #tpu.memory_space<vmem_shared>>) attributes {dimension_semantics = [#tpu.dimension_semantics<core_parallel>, #tpu.dimension_semantics<subcore_parallel>], iteration_bounds = array<i64: 2, 16>, scalar_prefetch = 0 : i64, scratch_operands = 3 : i64, tpu.core_type = #tpu.core_type<sc_vector_subcore>, window_params = [{transform_indices = #map}, {transform_indices = #map}, {transform_indices = #map}, {transform_indices = #map}]} {
    %mul3A = arith.constant 2 : i32
    %mul3A_0 = arith.muli %arg1, %mul3A : i32
    %add3A = arith.addi %mul3A_0, %arg0 : i32
    %mul3A_1 = arith.constant 128 : i32
    %mul3A_2 = arith.muli %arg1, %mul3A_1 : i32
    "tpu.region"() ({
      %run_scoped3A = tpu.sem_alloc : memref<!tpu.dma_semaphore, #tpu.memory_space<semaphore_mem>>
      %dma_start3A = arith.constant 0 : i32
      %dma_start3A_18 = tpu.memref_slice %arg4[%mul3A_2, %dma_start3A] : memref<2048x8xf32, #tpu.memory_space<hbm>> -> memref<128x8xf32, #tpu.memory_space<hbm>>
      %dma_start3A_19 = arith.constant 0 : i32
      %dma_start3A_20 = tpu.memref_slice %arg4[%mul3A_2, %dma_start3A_19] : memref<2048x8xf32, #tpu.memory_space<hbm>> -> memref<128x8xf32, #tpu.memory_space<hbm>>
      tpu.enqueue_dma source(%dma_start3A_20 : memref<128x8xf32, #tpu.memory_space<hbm>>) target(%arg7 : memref<128x8xf32, #tpu.memory_space<vmem>>) target_semaphore(%run_scoped3A : memref<!tpu.dma_semaphore, #tpu.memory_space<semaphore_mem>>)
      %dma_wait3A = arith.constant 0 : i32
      %dma_wait3A_21 = tpu.memref_slice %arg4[%mul3A_2, %dma_wait3A] : memref<2048x8xf32, #tpu.memory_space<hbm>> -> memref<128x8xf32, #tpu.memory_space<hbm>>
      %dma_wait3A_22 = arith.constant 0 : i32
      %dma_wait3A_23 = tpu.memref_slice %arg4[%mul3A_2, %dma_wait3A_22] : memref<2048x8xf32, #tpu.memory_space<hbm>> -> memref<128x8xf32, #tpu.memory_space<hbm>>
      tpu.wait_dma2 semaphore(%run_scoped3A : memref<!tpu.dma_semaphore, #tpu.memory_space<semaphore_mem>>) src(%dma_wait3A_23 : memref<128x8xf32, #tpu.memory_space<hbm>>) dst(%arg7 : memref<128x8xf32, #tpu.memory_space<vmem>>)
      tpu.yield
    }) : () -> ()
    %mul3A_3 = arith.constant 128 : i32
    %mul3A_4 = arith.muli %arg1, %mul3A_3 : i32
    "tpu.region"() ({
      %run_scoped3A = tpu.sem_alloc : memref<!tpu.dma_semaphore, #tpu.memory_space<semaphore_mem>>
      %dma_start3A = arith.constant 0 : i32
      %dma_start3A_18 = tpu.memref_slice %arg8[%mul3A_4, %dma_start3A] : memref<2048x8xf32, #tpu.memory_space<vmem_shared>> -> memref<128x8xf32, #tpu.memory_space<vmem_shared>>
      %dma_start3A_19 = arith.constant 0 : i32
      %dma_start3A_20 = tpu.memref_slice %arg8[%mul3A_4, %dma_start3A_19] : memref<2048x8xf32, #tpu.memory_space<vmem_shared>> -> memref<128x8xf32, #tpu.memory_space<vmem_shared>>
      tpu.enqueue_dma source(%arg7 : memref<128x8xf32, #tpu.memory_space<vmem>>) target(%dma_start3A_20 : memref<128x8xf32, #tpu.memory_space<vmem_shared>>) target_semaphore(%run_scoped3A : memref<!tpu.dma_semaphore, #tpu.memory_space<semaphore_mem>>)
      %dma_wait3A = arith.constant 0 : i32
      %dma_wait3A_21 = tpu.memref_slice %arg8[%mul3A_4, %dma_wait3A] : memref<2048x8xf32, #tpu.memory_space<vmem_shared>> -> memref<128x8xf32, #tpu.memory_space<vmem_shared>>
      %dma_wait3A_22 = arith.constant 0 : i32
      %dma_wait3A_23 = tpu.memref_slice %arg8[%mul3A_4, %dma_wait3A_22] : memref<2048x8xf32, #tpu.memory_space<vmem_shared>> -> memref<128x8xf32, #tpu.memory_space<vmem_shared>>
      tpu.wait_dma2 semaphore(%run_scoped3A : memref<!tpu.dma_semaphore, #tpu.memory_space<semaphore_mem>>) src(%arg7 : memref<128x8xf32, #tpu.memory_space<vmem>>) dst(%dma_wait3A_23 : memref<128x8xf32, #tpu.memory_space<vmem_shared>>)
      tpu.yield
    }) : () -> ()
    %barrier3A = arith.constant 0 : index
    tpu.barrier barrier_id(%barrier3A)
    %scan3A = arith.constant 0 : i32
    %scan3A_5 = arith.constant 0 : i32
    %scan3A_6 = arith.constant 25 : i32
    %scan3A_7 = arith.addi %scan3A_5, %scan3A_6 : i32
    %scan3A_8 = arith.constant 1 : i32
    scf.for %scan3A_18 = %scan3A_5 to %scan3A_7 step %scan3A_8  : i32 {
      %mul3A_19 = arith.constant 32 : i32
      %mul3A_20 = arith.muli %scan3A_18, %mul3A_19 : i32
      %add3A_21 = arith.addi %add3A, %mul3A_20 : i32
      %lt3A = arith.constant 784 : i32
      %lt3A_22 = arith.cmpi slt, %add3A_21, %lt3A : i32
      %convert_element_type3A = arith.extui %lt3A_22 : i1 to i32
      %cond3A = arith.constant 0 : i32
      %cond3A_23 = arith.cmpi ne, %convert_element_type3A, %cond3A : i32
      scf.if %cond3A_23 {
        "tpu.region"() ({
          %run_scoped3A_26 = tpu.sem_alloc : memref<!tpu.dma_semaphore, #tpu.memory_space<semaphore_mem>>
          %dma_start3A = arith.constant 0 : i32
          %dma_start3A_27 = tpu.memref_slice %arg3[%add3A_21, %dma_start3A] : memref<784x128xi32, #tpu.memory_space<hbm>> -> memref<1x128xi32, #tpu.memory_space<hbm>>
          %dma_start3A_28 = arith.constant 0 : i32
          %dma_start3A_29 = tpu.memref_slice %arg3[%add3A_21, %dma_start3A_28] : memref<784x128xi32, #tpu.memory_space<hbm>> -> memref<1x128xi32, #tpu.memory_space<hbm>>
          tpu.enqueue_dma source(%dma_start3A_29 : memref<1x128xi32, #tpu.memory_space<hbm>>) target(%arg6 : memref<1x128xi32, #tpu.memory_space<vmem>>) target_semaphore(%run_scoped3A_26 : memref<!tpu.dma_semaphore, #tpu.memory_space<semaphore_mem>>)
          %dma_wait3A = arith.constant 0 : i32
          %dma_wait3A_30 = tpu.memref_slice %arg3[%add3A_21, %dma_wait3A] : memref<784x128xi32, #tpu.memory_space<hbm>> -> memref<1x128xi32, #tpu.memory_space<hbm>>
          %dma_wait3A_31 = arith.constant 0 : i32
          %dma_wait3A_32 = tpu.memref_slice %arg3[%add3A_21, %dma_wait3A_31] : memref<784x128xi32, #tpu.memory_space<hbm>> -> memref<1x128xi32, #tpu.memory_space<hbm>>
          tpu.wait_dma2 semaphore(%run_scoped3A_26 : memref<!tpu.dma_semaphore, #tpu.memory_space<semaphore_mem>>) src(%dma_wait3A_32 : memref<1x128xi32, #tpu.memory_space<hbm>>) dst(%arg6 : memref<1x128xi32, #tpu.memory_space<vmem>>)
          tpu.yield
        }) : () -> ()
        %mul3A_24 = arith.constant 128 : i32
        %mul3A_25 = arith.muli %add3A_21, %mul3A_24 : i32
        "tpu.region"() ({
          %run_scoped3A_26 = tpu.sem_alloc : memref<!tpu.dma_semaphore, #tpu.memory_space<semaphore_mem>>
          %dma_start3A = arith.constant 0 : i32
          %dma_start3A_27 = tpu.memref_slice %arg2[%mul3A_25, %dma_start3A] : memref<100352x8xf32, #tpu.memory_space<hbm>> -> memref<128x8xf32, #tpu.memory_space<hbm>>
          %dma_start3A_28 = arith.constant 0 : i32
          %dma_start3A_29 = tpu.memref_slice %arg2[%mul3A_25, %dma_start3A_28] : memref<100352x8xf32, #tpu.memory_space<hbm>> -> memref<128x8xf32, #tpu.memory_space<hbm>>
          tpu.enqueue_dma source(%dma_start3A_29 : memref<128x8xf32, #tpu.memory_space<hbm>>) target(%arg7 : memref<128x8xf32, #tpu.memory_space<vmem>>) target_semaphore(%run_scoped3A_26 : memref<!tpu.dma_semaphore, #tpu.memory_space<semaphore_mem>>)
          %dma_wait3A = arith.constant 0 : i32
          %dma_wait3A_30 = tpu.memref_slice %arg2[%mul3A_25, %dma_wait3A] : memref<100352x8xf32, #tpu.memory_space<hbm>> -> memref<128x8xf32, #tpu.memory_space<hbm>>
          %dma_wait3A_31 = arith.constant 0 : i32
          %dma_wait3A_32 = tpu.memref_slice %arg2[%mul3A_25, %dma_wait3A_31] : memref<100352x8xf32, #tpu.memory_space<hbm>> -> memref<128x8xf32, #tpu.memory_space<hbm>>
          tpu.wait_dma2 semaphore(%run_scoped3A_26 : memref<!tpu.dma_semaphore, #tpu.memory_space<semaphore_mem>>) src(%dma_wait3A_32 : memref<128x8xf32, #tpu.memory_space<hbm>>) dst(%arg7 : memref<128x8xf32, #tpu.memory_space<vmem>>)
          tpu.yield
        }) : () -> ()
        %run_scoped3A = arith.constant 0 : i32
        "tpu.region"() ({
          %run_scoped3A_26 = tpu.sem_alloc : memref<!tpu.dma_semaphore, #tpu.memory_space<semaphore_mem>>
          %dma_start3A = arith.constant 0 : i32
          %dma_start3A_27 = tpu.memref_slice %arg6[%run_scoped3A, %dma_start3A] : memref<1x128xi32, #tpu.memory_space<vmem>> -> memref<1x128xi32, #tpu.memory_space<vmem>>
          %dma_start3A_28 = tpu.memref_squeeze %dma_start3A_27 : memref<1x128xi32, #tpu.memory_space<vmem>> -> memref<128xi32, #tpu.memory_space<vmem>>
          %dma_start3A_29 = arith.constant 0 : i32
          %dma_start3A_30 = arith.constant 0 : i32
          %dma_start3A_31 = tpu.memref_slice %arg8[%dma_start3A_29, %dma_start3A_30] : memref<2048x8xf32, #tpu.memory_space<vmem_shared>> -> memref<2048x8xf32, #tpu.memory_space<vmem_shared>>
          tpu.enqueue_indirect_dma source(%arg7 : memref<128x8xf32, #tpu.memory_space<vmem>>) target(%dma_start3A_31 : memref<2048x8xf32, #tpu.memory_space<vmem_shared>>) offsets(%dma_start3A_28 : memref<128xi32, #tpu.memory_space<vmem>>) semaphore(%run_scoped3A_26 : memref<!tpu.dma_semaphore, #tpu.memory_space<semaphore_mem>>) {add = true}
          %dma_wait3A = arith.constant 0 : i32
          %dma_wait3A_32 = tpu.memref_slice %arg6[%run_scoped3A, %dma_wait3A] : memref<1x128xi32, #tpu.memory_space<vmem>> -> memref<1x128xi32, #tpu.memory_space<vmem>>
          %dma_wait3A_33 = tpu.memref_squeeze %dma_wait3A_32 : memref<1x128xi32, #tpu.memory_space<vmem>> -> memref<128xi32, #tpu.memory_space<vmem>>
          %dma_wait3A_34 = arith.constant 0 : i32
          %dma_wait3A_35 = arith.constant 0 : i32
          %dma_wait3A_36 = tpu.memref_slice %arg8[%dma_wait3A_34, %dma_wait3A_35] : memref<2048x8xf32, #tpu.memory_space<vmem_shared>> -> memref<2048x8xf32, #tpu.memory_space<vmem_shared>>
          tpu.wait_indirect_dma semaphore(%run_scoped3A_26 : memref<!tpu.dma_semaphore, #tpu.memory_space<semaphore_mem>>) src(%arg7 : memref<128x8xf32, #tpu.memory_space<vmem>>) dst(%dma_wait3A_36 : memref<2048x8xf32, #tpu.memory_space<vmem_shared>>)
          tpu.yield
        }) : () -> ()
      } else {
      }
    }
    %scan3A_9 = arith.constant 25 : i32
    %barrier3A_10 = arith.constant 0 : index
    tpu.barrier barrier_id(%barrier3A_10)
    %mul3A_11 = arith.constant 128 : i32
    %mul3A_12 = arith.muli %arg1, %mul3A_11 : i32
    "tpu.region"() ({
      %run_scoped3A = tpu.sem_alloc : memref<!tpu.dma_semaphore, #tpu.memory_space<semaphore_mem>>
      %dma_start3A = arith.constant 0 : i32
      %dma_start3A_18 = tpu.memref_slice %arg8[%mul3A_12, %dma_start3A] : memref<2048x8xf32, #tpu.memory_space<vmem_shared>> -> memref<128x8xf32, #tpu.memory_space<vmem_shared>>
      %dma_start3A_19 = arith.constant 0 : i32
      %dma_start3A_20 = tpu.memref_slice %arg8[%mul3A_12, %dma_start3A_19] : memref<2048x8xf32, #tpu.memory_space<vmem_shared>> -> memref<128x8xf32, #tpu.memory_space<vmem_shared>>
      tpu.enqueue_dma source(%dma_start3A_20 : memref<128x8xf32, #tpu.memory_space<vmem_shared>>) target(%arg7 : memref<128x8xf32, #tpu.memory_space<vmem>>) target_semaphore(%run_scoped3A : memref<!tpu.dma_semaphore, #tpu.memory_space<semaphore_mem>>)
      %dma_wait3A = arith.constant 0 : i32
      %dma_wait3A_21 = tpu.memref_slice %arg8[%mul3A_12, %dma_wait3A] : memref<2048x8xf32, #tpu.memory_space<vmem_shared>> -> memref<128x8xf32, #tpu.memory_space<vmem_shared>>
      %dma_wait3A_22 = arith.constant 0 : i32
      %dma_wait3A_23 = tpu.memref_slice %arg8[%mul3A_12, %dma_wait3A_22] : memref<2048x8xf32, #tpu.memory_space<vmem_shared>> -> memref<128x8xf32, #tpu.memory_space<vmem_shared>>
      tpu.wait_dma2 semaphore(%run_scoped3A : memref<!tpu.dma_semaphore, #tpu.memory_space<semaphore_mem>>) src(%dma_wait3A_23 : memref<128x8xf32, #tpu.memory_space<vmem_shared>>) dst(%arg7 : memref<128x8xf32, #tpu.memory_space<vmem>>)
      tpu.yield
    }) : () -> ()
    %mul3A_13 = arith.constant 2048 : i32
    %mul3A_14 = arith.muli %arg0, %mul3A_13 : i32
    %mul3A_15 = arith.constant 128 : i32
    %mul3A_16 = arith.muli %arg1, %mul3A_15 : i32
    %add3A_17 = arith.addi %mul3A_14, %mul3A_16 : i32
    "tpu.region"() ({
      %run_scoped3A = tpu.sem_alloc : memref<!tpu.dma_semaphore, #tpu.memory_space<semaphore_mem>>
      %dma_start3A = arith.constant 0 : i32
      %dma_start3A_18 = tpu.memref_slice %arg5[%add3A_17, %dma_start3A] : memref<4096x8xf32, #tpu.memory_space<hbm>> -> memref<128x8xf32, #tpu.memory_space<hbm>>
      %dma_start3A_19 = arith.constant 0 : i32
      %dma_start3A_20 = tpu.memref_slice %arg5[%add3A_17, %dma_start3A_19] : memref<4096x8xf32, #tpu.memory_space<hbm>> -> memref<128x8xf32, #tpu.memory_space<hbm>>
      tpu.enqueue_dma source(%arg7 : memref<128x8xf32, #tpu.memory_space<vmem>>) target(%dma_start3A_20 : memref<128x8xf32, #tpu.memory_space<hbm>>) target_semaphore(%run_scoped3A : memref<!tpu.dma_semaphore, #tpu.memory_space<semaphore_mem>>)
      %dma_wait3A = arith.constant 0 : i32
      %dma_wait3A_21 = tpu.memref_slice %arg5[%add3A_17, %dma_wait3A] : memref<4096x8xf32, #tpu.memory_space<hbm>> -> memref<128x8xf32, #tpu.memory_space<hbm>>
      %dma_wait3A_22 = arith.constant 0 : i32
      %dma_wait3A_23 = tpu.memref_slice %arg5[%add3A_17, %dma_wait3A_22] : memref<4096x8xf32, #tpu.memory_space<hbm>> -> memref<128x8xf32, #tpu.memory_space<hbm>>
      tpu.wait_dma2 semaphore(%run_scoped3A : memref<!tpu.dma_semaphore, #tpu.memory_space<semaphore_mem>>) src(%arg7 : memref<128x8xf32, #tpu.memory_space<vmem>>) dst(%dma_wait3A_23 : memref<128x8xf32, #tpu.memory_space<hbm>>)
      tpu.yield
    }) : () -> ()
    return
  }
}

#map = affine_map<(d0, d1) -> (0, 0)>
module attributes {stable_mosaic.version = 14 : i64} {
  func.func @_sc_gather_body(%arg0: i32, %arg1: i32, %arg2: memref<2048x16xf32, #tpu.memory_space<hbm>>, %arg3: memref<784x128xi32, #tpu.memory_space<hbm>>, %arg4: memref<100352x16xf32, #tpu.memory_space<hbm>>, %arg5: memref<1x128xi32, #tpu.memory_space<vmem>>, %arg6: memref<128x16xf32, #tpu.memory_space<vmem>>, %arg7: memref<!tpu.dma_semaphore, #tpu.memory_space<semaphore_mem>>) attributes {dimension_semantics = [#tpu.dimension_semantics<core_parallel>, #tpu.dimension_semantics<subcore_parallel>], iteration_bounds = array<i64: 2, 16>, scalar_prefetch = 0 : i64, scratch_operands = 3 : i64, tpu.core_type = #tpu.core_type<sc_vector_subcore>, window_params = [{transform_indices = #map}, {transform_indices = #map}, {transform_indices = #map}]} {
    %mul3A = arith.constant 2 : i32
    %mul3A_0 = arith.muli %arg1, %mul3A : i32
    %add3A = arith.addi %mul3A_0, %arg0 : i32
    %scan3A = arith.constant 0 : i32
    %scan3A_1 = arith.constant 0 : i32
    %scan3A_2 = arith.constant 25 : i32
    %scan3A_3 = arith.addi %scan3A_1, %scan3A_2 : i32
    %scan3A_4 = arith.constant 1 : i32
    scf.for %scan3A_6 = %scan3A_1 to %scan3A_3 step %scan3A_4  : i32 {
      %mul3A_7 = arith.constant 32 : i32
      %mul3A_8 = arith.muli %scan3A_6, %mul3A_7 : i32
      %add3A_9 = arith.addi %add3A, %mul3A_8 : i32
      %lt3A = arith.constant 784 : i32
      %lt3A_10 = arith.cmpi slt, %add3A_9, %lt3A : i32
      %convert_element_type3A = arith.extui %lt3A_10 : i1 to i32
      %cond3A = arith.constant 0 : i32
      %cond3A_11 = arith.cmpi ne, %convert_element_type3A, %cond3A : i32
      scf.if %cond3A_11 {
        "tpu.region"() ({
          %run_scoped3A = tpu.sem_alloc : memref<!tpu.dma_semaphore, #tpu.memory_space<semaphore_mem>>
          %dma_start3A_26 = arith.constant 0 : i32
          %dma_start3A_27 = tpu.memref_slice %arg3[%add3A_9, %dma_start3A_26] : memref<784x128xi32, #tpu.memory_space<hbm>> -> memref<1x128xi32, #tpu.memory_space<hbm>>
          %dma_start3A_28 = arith.constant 0 : i32
          %dma_start3A_29 = tpu.memref_slice %arg3[%add3A_9, %dma_start3A_28] : memref<784x128xi32, #tpu.memory_space<hbm>> -> memref<1x128xi32, #tpu.memory_space<hbm>>
          tpu.enqueue_dma source(%dma_start3A_29 : memref<1x128xi32, #tpu.memory_space<hbm>>) target(%arg5 : memref<1x128xi32, #tpu.memory_space<vmem>>) target_semaphore(%run_scoped3A : memref<!tpu.dma_semaphore, #tpu.memory_space<semaphore_mem>>)
          %dma_wait3A_30 = arith.constant 0 : i32
          %dma_wait3A_31 = tpu.memref_slice %arg3[%add3A_9, %dma_wait3A_30] : memref<784x128xi32, #tpu.memory_space<hbm>> -> memref<1x128xi32, #tpu.memory_space<hbm>>
          %dma_wait3A_32 = arith.constant 0 : i32
          %dma_wait3A_33 = tpu.memref_slice %arg3[%add3A_9, %dma_wait3A_32] : memref<784x128xi32, #tpu.memory_space<hbm>> -> memref<1x128xi32, #tpu.memory_space<hbm>>
          tpu.wait_dma2 semaphore(%run_scoped3A : memref<!tpu.dma_semaphore, #tpu.memory_space<semaphore_mem>>) src(%dma_wait3A_33 : memref<1x128xi32, #tpu.memory_space<hbm>>) dst(%arg5 : memref<1x128xi32, #tpu.memory_space<vmem>>)
          tpu.yield
        }) : () -> ()
        %dma_start3A = arith.constant 0 : i32
        %dma_start3A_12 = arith.constant 0 : i32
        %dma_start3A_13 = tpu.memref_slice %arg5[%dma_start3A, %dma_start3A_12] : memref<1x128xi32, #tpu.memory_space<vmem>> -> memref<1x128xi32, #tpu.memory_space<vmem>>
        %dma_start3A_14 = tpu.memref_squeeze %dma_start3A_13 : memref<1x128xi32, #tpu.memory_space<vmem>> -> memref<128xi32, #tpu.memory_space<vmem>>
        %dma_start3A_15 = arith.constant 0 : i32
        %dma_start3A_16 = arith.constant 0 : i32
        %dma_start3A_17 = tpu.memref_slice %arg2[%dma_start3A_15, %dma_start3A_16] : memref<2048x16xf32, #tpu.memory_space<hbm>> -> memref<2048x16xf32, #tpu.memory_space<hbm>>
        tpu.enqueue_indirect_dma source(%dma_start3A_17 : memref<2048x16xf32, #tpu.memory_space<hbm>>) target(%arg6 : memref<128x16xf32, #tpu.memory_space<vmem>>) offsets(%dma_start3A_14 : memref<128xi32, #tpu.memory_space<vmem>>) semaphore(%arg7 : memref<!tpu.dma_semaphore, #tpu.memory_space<semaphore_mem>>)
        %dma_wait3A = arith.constant 0 : i32
        %dma_wait3A_18 = arith.constant 0 : i32
        %dma_wait3A_19 = tpu.memref_slice %arg5[%dma_wait3A, %dma_wait3A_18] : memref<1x128xi32, #tpu.memory_space<vmem>> -> memref<1x128xi32, #tpu.memory_space<vmem>>
        %dma_wait3A_20 = tpu.memref_squeeze %dma_wait3A_19 : memref<1x128xi32, #tpu.memory_space<vmem>> -> memref<128xi32, #tpu.memory_space<vmem>>
        %dma_wait3A_21 = arith.constant 0 : i32
        %dma_wait3A_22 = arith.constant 0 : i32
        %dma_wait3A_23 = tpu.memref_slice %arg2[%dma_wait3A_21, %dma_wait3A_22] : memref<2048x16xf32, #tpu.memory_space<hbm>> -> memref<2048x16xf32, #tpu.memory_space<hbm>>
        tpu.wait_indirect_dma semaphore(%arg7 : memref<!tpu.dma_semaphore, #tpu.memory_space<semaphore_mem>>) src(%dma_wait3A_23 : memref<2048x16xf32, #tpu.memory_space<hbm>>) dst(%arg6 : memref<128x16xf32, #tpu.memory_space<vmem>>)
        %mul3A_24 = arith.constant 128 : i32
        %mul3A_25 = arith.muli %add3A_9, %mul3A_24 : i32
        "tpu.region"() ({
          %run_scoped3A = tpu.sem_alloc : memref<!tpu.dma_semaphore, #tpu.memory_space<semaphore_mem>>
          %dma_start3A_26 = arith.constant 0 : i32
          %dma_start3A_27 = tpu.memref_slice %arg4[%mul3A_25, %dma_start3A_26] : memref<100352x16xf32, #tpu.memory_space<hbm>> -> memref<128x16xf32, #tpu.memory_space<hbm>>
          %dma_start3A_28 = arith.constant 0 : i32
          %dma_start3A_29 = tpu.memref_slice %arg4[%mul3A_25, %dma_start3A_28] : memref<100352x16xf32, #tpu.memory_space<hbm>> -> memref<128x16xf32, #tpu.memory_space<hbm>>
          tpu.enqueue_dma source(%arg6 : memref<128x16xf32, #tpu.memory_space<vmem>>) target(%dma_start3A_29 : memref<128x16xf32, #tpu.memory_space<hbm>>) target_semaphore(%run_scoped3A : memref<!tpu.dma_semaphore, #tpu.memory_space<semaphore_mem>>)
          %dma_wait3A_30 = arith.constant 0 : i32
          %dma_wait3A_31 = tpu.memref_slice %arg4[%mul3A_25, %dma_wait3A_30] : memref<100352x16xf32, #tpu.memory_space<hbm>> -> memref<128x16xf32, #tpu.memory_space<hbm>>
          %dma_wait3A_32 = arith.constant 0 : i32
          %dma_wait3A_33 = tpu.memref_slice %arg4[%mul3A_25, %dma_wait3A_32] : memref<100352x16xf32, #tpu.memory_space<hbm>> -> memref<128x16xf32, #tpu.memory_space<hbm>>
          tpu.wait_dma2 semaphore(%run_scoped3A : memref<!tpu.dma_semaphore, #tpu.memory_space<semaphore_mem>>) src(%arg6 : memref<128x16xf32, #tpu.memory_space<vmem>>) dst(%dma_wait3A_33 : memref<128x16xf32, #tpu.memory_space<hbm>>)
          tpu.yield
        }) : () -> ()
      } else {
      }
    }
    %scan3A_5 = arith.constant 25 : i32
    return
  }
}

module attributes {stable_mosaic.version = 14 : i64} {
  func.func @_pass_vae(%arg0: i32, %arg1: memref<1024x128xf32, #tpu.memory_space<vmem>>, %arg2: memref<1024x64xf32, #tpu.memory_space<vmem>>, %arg3: memref<128x64xf32, #tpu.memory_space<vmem>>, %arg4: memref<128x64xf32, #tpu.memory_space<vmem>>, %arg5: memref<1x64xf32, #tpu.memory_space<vmem>>, %arg6: memref<1x64xf32, #tpu.memory_space<vmem>>, %arg7: memref<64x70xf32, #tpu.memory_space<vmem>>, %arg8: memref<64x70xf32, #tpu.memory_space<vmem>>, %arg9: memref<1024x72xf32, #tpu.memory_space<vmem>>) attributes {dimension_semantics = [#tpu.dimension_semantics<arbitrary>], iteration_bounds = array<i64: 98>, scalar_prefetch = 0 : i64, scratch_operands = 0 : i64, tpu.core_type = #tpu.core_type<tc>, window_params = [{transform_indices = @transform_0, window_bounds = array<i64: 1024, 128>}, {transform_indices = @transform_1, window_bounds = array<i64: 1024, 64>}, {pipeline_mode = #tpu.pipeline_mode<synchronous>, transform_indices = @transform_2, window_bounds = array<i64: 128, 64>}, {pipeline_mode = #tpu.pipeline_mode<synchronous>, transform_indices = @transform_3, window_bounds = array<i64: 128, 64>}, {pipeline_mode = #tpu.pipeline_mode<synchronous>, transform_indices = @transform_4, window_bounds = array<i64: 1, 64>}, {pipeline_mode = #tpu.pipeline_mode<synchronous>, transform_indices = @transform_5, window_bounds = array<i64: 1, 64>}, {pipeline_mode = #tpu.pipeline_mode<synchronous>, transform_indices = @transform_6, window_bounds = array<i64: 64, 70>}, {pipeline_mode = #tpu.pipeline_mode<synchronous>, transform_indices = @transform_7, window_bounds = array<i64: 64, 70>}, {transform_indices = @transform_8, window_bounds = array<i64: 1024, 72>}]} {
    %get3A = arith.constant 0 : index
    %get3A_0 = arith.constant 0 : index
    %get3A_1 = vector.load %arg1[%get3A, %get3A_0] : memref<1024x128xf32, #tpu.memory_space<vmem>>, vector<1024x128xf32>
    %get3A_2 = arith.constant 0 : index
    %get3A_3 = arith.constant 0 : index
    %get3A_4 = vector.load %arg3[%get3A_2, %get3A_3] : memref<128x64xf32, #tpu.memory_space<vmem>>, vector<128x64xf32>
    %dot_general3A = arith.constant dense<0.000000e+00> : vector<1024x64xf32>
    %dot_general3A_5 = tpu.matmul %get3A_1, %get3A_4, %dot_general3A {dimension_numbers = #tpu.dot_dimension_numbers<[1], [0], [0], [1], [0, 0, 1, 1], [], []>, transpose_lhs_hint = false} : vector<1024x128xf32>, vector<128x64xf32>, vector<1024x64xf32> -> vector<1024x64xf32>
    %get3A_6 = arith.constant 0 : index
    %get3A_7 = arith.constant 0 : index
    %get3A_8 = vector.load %arg5[%get3A_6, %get3A_7] : memref<1x64xf32, #tpu.memory_space<vmem>>, vector<1x64xf32>
    %add3A = vector.broadcast %get3A_8 : vector<1x64xf32> to vector<1024x64xf32>
    %add3A_9 = arith.addf %dot_general3A_5, %add3A : vector<1024x64xf32>
    %get3A_10 = arith.constant 0 : index
    %get3A_11 = arith.constant 0 : index
    %get3A_12 = vector.load %arg4[%get3A_10, %get3A_11] : memref<128x64xf32, #tpu.memory_space<vmem>>, vector<128x64xf32>
    %dot_general3A_13 = arith.constant dense<0.000000e+00> : vector<1024x64xf32>
    %dot_general3A_14 = tpu.matmul %get3A_1, %get3A_12, %dot_general3A_13 {dimension_numbers = #tpu.dot_dimension_numbers<[1], [0], [0], [1], [0, 0, 1, 1], [], []>, transpose_lhs_hint = false} : vector<1024x128xf32>, vector<128x64xf32>, vector<1024x64xf32> -> vector<1024x64xf32>
    %get3A_15 = arith.constant 0 : index
    %get3A_16 = arith.constant 0 : index
    %get3A_17 = vector.load %arg6[%get3A_15, %get3A_16] : memref<1x64xf32, #tpu.memory_space<vmem>>, vector<1x64xf32>
    %add3A_18 = vector.broadcast %get3A_17 : vector<1x64xf32> to vector<1024x64xf32>
    %add3A_19 = arith.addf %dot_general3A_14, %add3A_18 : vector<1024x64xf32>
    %mul3A = arith.constant 5.000000e-01 : f32
    %mul3A_20 = vector.broadcast %mul3A : f32 to vector<1024x64xf32>
    %mul3A_21 = arith.mulf %mul3A_20, %add3A_19 : vector<1024x64xf32>
    %exp3A = math.exp %mul3A_21 : vector<1024x64xf32>
    %get3A_22 = arith.constant 0 : index
    %get3A_23 = arith.constant 0 : index
    %get3A_24 = vector.load %arg2[%get3A_22, %get3A_23] : memref<1024x64xf32, #tpu.memory_space<vmem>>, vector<1024x64xf32>
    %mul3A_25 = arith.mulf %get3A_24, %exp3A : vector<1024x64xf32>
    %add3A_26 = arith.addf %mul3A_25, %add3A_9 : vector<1024x64xf32>
    %get3A_27 = arith.constant 0 : index
    %get3A_28 = arith.constant 0 : index
    %get3A_29 = vector.load %arg7[%get3A_27, %get3A_28] : memref<64x70xf32, #tpu.memory_space<vmem>>, vector<64x70xf32>
    %dot_general3A_30 = arith.constant dense<0.000000e+00> : vector<1024x70xf32>
    %dot_general3A_31 = tpu.matmul %add3A_26, %get3A_29, %dot_general3A_30 {dimension_numbers = #tpu.dot_dimension_numbers<[1], [0], [0], [1], [0, 0, 1, 1], [], []>, transpose_lhs_hint = false} : vector<1024x64xf32>, vector<64x70xf32>, vector<1024x70xf32> -> vector<1024x70xf32>
    %get3A_32 = arith.constant 0 : index
    %get3A_33 = arith.constant 0 : index
    %get3A_34 = vector.load %arg8[%get3A_32, %get3A_33] : memref<64x70xf32, #tpu.memory_space<vmem>>, vector<64x70xf32>
    %dot_general3A_35 = arith.constant dense<0.000000e+00> : vector<1024x70xf32>
    %dot_general3A_36 = tpu.matmul %add3A_19, %get3A_34, %dot_general3A_35 {dimension_numbers = #tpu.dot_dimension_numbers<[1], [0], [0], [1], [0, 0, 1, 1], [], []>, transpose_lhs_hint = false} : vector<1024x64xf32>, vector<64x70xf32>, vector<1024x70xf32> -> vector<1024x70xf32>
    %add3A_37 = arith.addf %dot_general3A_31, %dot_general3A_36 : vector<1024x70xf32>
    %mul3A_38 = arith.constant 1024 : i32
    %mul3A_39 = arith.muli %arg0, %mul3A_38 : i32
    %iota3A = tpu.iota {dimensions = array<i32: 0>} : vector<1024x1xi32>
    %add3A_40 = vector.broadcast %mul3A_39 : i32 to vector<1024x1xi32>
    %add3A_41 = arith.addi %add3A_40, %iota3A : vector<1024x1xi32>
    %lt3A = arith.constant 100000 : i32
    %lt3A_42 = vector.broadcast %lt3A : i32 to vector<1024x1xi32>
    %lt3A_43 = arith.cmpi slt, %add3A_41, %lt3A_42 : vector<1024x1xi32>
    %broadcast_in_dim3A = arith.constant 0.000000e+00 : f32
    %broadcast_in_dim3A_44 = vector.broadcast %broadcast_in_dim3A : f32 to vector<1024x2xf32>
    %jit3A = arith.constant 0.000000e+00 : f32
    %broadcast_in_dim3A_45 = vector.shape_cast %lt3A_43 : vector<1024x1xi1> to vector<1024x1xi1>
    %broadcast_in_dim3A_46 = vector.broadcast %broadcast_in_dim3A_45 : vector<1024x1xi1> to vector<1024x70xi1>
    %broadcast_in_dim3A_47 = vector.broadcast %jit3A : f32 to vector<1024x70xf32>
    %select_n3A = arith.select %broadcast_in_dim3A_46, %add3A_37, %broadcast_in_dim3A_47 : vector<1024x70xi1>, vector<1024x70xf32>
    %concatenate3A = tpu.concatenate %select_n3A, %broadcast_in_dim3A_44 in 1 : vector<1024x70xf32>, vector<1024x2xf32> -> vector<1024x72xf32>
    %swap3A = arith.constant 0 : index
    %swap3A_48 = arith.constant 0 : index
    %swap3A_49 = vector.load %arg9[%swap3A, %swap3A_48] : memref<1024x72xf32, #tpu.memory_space<vmem>>, vector<1024x72xf32>
    tpu.vector_store %arg9[%swap3A, %swap3A_48], %concatenate3A {strides = array<i32>} : memref<1024x72xf32, #tpu.memory_space<vmem>>, vector<1024x72xf32>,
    return
  }
  func.func @transform_0(%arg0: i32) -> (i32, i32) {
    %c0_i32 = arith.constant 0 : i32
    %c0_i32_0 = arith.constant 0 : i32
    return %arg0, %c0_i32 : i32, i32
  }
  func.func @transform_1(%arg0: i32) -> (i32, i32) {
    %c0_i32 = arith.constant 0 : i32
    %c0_i32_0 = arith.constant 0 : i32
    return %arg0, %c0_i32 : i32, i32
  }
  func.func @transform_2(%arg0: i32) -> (i32, i32) {
    %c0_i32 = arith.constant 0 : i32
    %c0_i32_0 = arith.constant 0 : i32
    %c0_i32_1 = arith.constant 0 : i32
    return %c0_i32, %c0_i32_0 : i32, i32
  }
  func.func @transform_3(%arg0: i32) -> (i32, i32) {
    %c0_i32 = arith.constant 0 : i32
    %c0_i32_0 = arith.constant 0 : i32
    %c0_i32_1 = arith.constant 0 : i32
    return %c0_i32, %c0_i32_0 : i32, i32
  }
  func.func @transform_4(%arg0: i32) -> (i32, i32) {
    %c0_i32 = arith.constant 0 : i32
    %c0_i32_0 = arith.constant 0 : i32
    %c0_i32_1 = arith.constant 0 : i32
    return %c0_i32, %c0_i32_0 : i32, i32
  }
  func.func @transform_5(%arg0: i32) -> (i32, i32) {
    %c0_i32 = arith.constant 0 : i32
    %c0_i32_0 = arith.constant 0 : i32
    %c0_i32_1 = arith.constant 0 : i32
    return %c0_i32, %c0_i32_0 : i32, i32
  }
  func.func @transform_6(%arg0: i32) -> (i32, i32) {
    %c0_i32 = arith.constant 0 : i32
    %c0_i32_0 = arith.constant 0 : i32
    %c0_i32_1 = arith.constant 0 : i32
    return %c0_i32, %c0_i32_0 : i32, i32
  }
  func.func @transform_7(%arg0: i32) -> (i32, i32) {
    %c0_i32 = arith.constant 0 : i32
    %c0_i32_0 = arith.constant 0 : i32
    %c0_i32_1 = arith.constant 0 : i32
    return %c0_i32, %c0_i32_0 : i32, i32
  }
  func.func @transform_8(%arg0: i32) -> (i32, i32) {
    %c0_i32 = arith.constant 0 : i32
    %c0_i32_0 = arith.constant 0 : i32
    return %arg0, %c0_i32 : i32, i32
  }
}

module attributes {stable_mosaic.version = 14 : i64} {
  func.func @_graph_prep(%arg0: memref<2048x3xf32, #tpu.memory_space<vmem>>, %arg1: memref<2048x3xf32, #tpu.memory_space<vmem>>, %arg2: memref<3x256xf32, #tpu.memory_space<vmem>>, %arg3: memref<3x256xf32, #tpu.memory_space<vmem>>, %arg4: memref<1x256xf32, #tpu.memory_space<vmem>>, %arg5: memref<256x256xf32, #tpu.memory_space<vmem>>, %arg6: memref<1x256xf32, #tpu.memory_space<vmem>>, %arg7: memref<256x12xf32, #tpu.memory_space<vmem>>, %arg8: memref<1x12xf32, #tpu.memory_space<vmem>>, %arg9: memref<2048x9xf32, #tpu.memory_space<vmem>>, %arg10: memref<2048x12xf32, #tpu.memory_space<vmem>>) attributes {dimension_semantics = [], scalar_prefetch = 0 : i64, scratch_operands = 0 : i64, tpu.core_type = #tpu.core_type<tc>} {
    %get3A = arith.constant 0 : index
    %get3A_0 = arith.constant 0 : index
    %get3A_1 = vector.load %arg0[%get3A, %get3A_0] : memref<2048x3xf32, #tpu.memory_space<vmem>>, vector<2048x3xf32>
    %mul3A = arith.constant 4.000000e+00 : f32
    %mul3A_2 = vector.broadcast %mul3A : f32 to vector<2048x3xf32>
    %mul3A_3 = arith.mulf %mul3A_2, %get3A_1 : vector<2048x3xf32>
    %add3A = arith.constant 1.000000e+00 : f32
    %add3A_4 = vector.broadcast %add3A : f32 to vector<2048x3xf32>
    %add3A_5 = arith.addf %add3A_4, %mul3A_3 : vector<2048x3xf32>
    %get3A_6 = arith.constant 0 : index
    %get3A_7 = arith.constant 0 : index
    %get3A_8 = vector.load %arg1[%get3A_6, %get3A_7] : memref<2048x3xf32, #tpu.memory_space<vmem>>, vector<2048x3xf32>
    %mul3A_9 = arith.constant 6.000000e+01 : f32
    %mul3A_10 = vector.broadcast %mul3A_9 : f32 to vector<2048x3xf32>
    %mul3A_11 = arith.mulf %mul3A_10, %get3A_8 : vector<2048x3xf32>
    %add3A_12 = arith.constant 6.000000e+01 : f32
    %add3A_13 = vector.broadcast %add3A_12 : f32 to vector<2048x3xf32>
    %add3A_14 = arith.addf %add3A_13, %mul3A_11 : vector<2048x3xf32>
    %mul3A_15 = arith.constant 0.0174532924 : f32
    %mul3A_16 = vector.broadcast %mul3A_15 : f32 to vector<2048x3xf32>
    %mul3A_17 = arith.mulf %add3A_14, %mul3A_16 : vector<2048x3xf32>
    %cos3A = math.cos %mul3A_17 : vector<2048x3xf32>
    %sin3A = math.sin %mul3A_17 : vector<2048x3xf32>
    %slice3A = vector.extract_strided_slice %cos3A {offsets = [0, 0], sizes = [2048, 1], strides = [1, 1]} : vector<2048x3xf32> to vector<2048x1xf32>
    %slice3A_18 = vector.extract_strided_slice %cos3A {offsets = [0, 1], sizes = [2048, 1], strides = [1, 1]} : vector<2048x3xf32> to vector<2048x1xf32>
    %slice3A_19 = vector.extract_strided_slice %cos3A {offsets = [0, 2], sizes = [2048, 1], strides = [1, 1]} : vector<2048x3xf32> to vector<2048x1xf32>
    %slice3A_20 = vector.extract_strided_slice %sin3A {offsets = [0, 0], sizes = [2048, 1], strides = [1, 1]} : vector<2048x3xf32> to vector<2048x1xf32>
    %slice3A_21 = vector.extract_strided_slice %sin3A {offsets = [0, 1], sizes = [2048, 1], strides = [1, 1]} : vector<2048x3xf32> to vector<2048x1xf32>
    %mul3A_22 = arith.mulf %slice3A, %slice3A_18 : vector<2048x1xf32>
    %sub3A = arith.subf %mul3A_22, %slice3A_19 : vector<2048x1xf32>
    %mul3A_23 = arith.mulf %slice3A_20, %slice3A_21 : vector<2048x1xf32>
    %div3A = arith.divf %sub3A, %mul3A_23 : vector<2048x1xf32>
    %jit3A = arith.constant -1.000000e+00 : f32
    %jit3A_24 = arith.constant 1.000000e+00 : f32
    %max3A = vector.broadcast %jit3A : f32 to vector<2048x1xf32>
    %max3A_25 = arith.maximumf %max3A, %div3A : vector<2048x1xf32>
    %min3A = vector.broadcast %jit3A_24 : f32 to vector<2048x1xf32>
    %min3A_26 = arith.minimumf %min3A, %max3A_25 : vector<2048x1xf32>
    %mul3A_27 = arith.mulf %min3A_26, %min3A_26 : vector<2048x1xf32>
    %sub3A_28 = arith.constant 1.000000e+00 : f32
    %sub3A_29 = vector.broadcast %sub3A_28 : f32 to vector<2048x1xf32>
    %sub3A_30 = arith.subf %sub3A_29, %mul3A_27 : vector<2048x1xf32>
    %max3A_31 = arith.constant 0.000000e+00 : f32
    %max3A_32 = vector.broadcast %max3A_31 : f32 to vector<2048x1xf32>
    %max3A_33 = arith.maximumf %sub3A_30, %max3A_32 : vector<2048x1xf32>
    %sqrt3A = math.sqrt %max3A_33 : vector<2048x1xf32>
    %slice3A_34 = vector.extract_strided_slice %add3A_5 {offsets = [0, 0], sizes = [2048, 1], strides = [1, 1]} : vector<2048x3xf32> to vector<2048x1xf32>
    %slice3A_35 = vector.extract_strided_slice %add3A_5 {offsets = [0, 1], sizes = [2048, 1], strides = [1, 1]} : vector<2048x3xf32> to vector<2048x1xf32>
    %slice3A_36 = vector.extract_strided_slice %add3A_5 {offsets = [0, 2], sizes = [2048, 1], strides = [1, 1]} : vector<2048x3xf32> to vector<2048x1xf32>
    %broadcast_in_dim3A = arith.constant 0.000000e+00 : f32
    %broadcast_in_dim3A_37 = vector.broadcast %broadcast_in_dim3A : f32 to vector<2048x1xf32>
    %mul3A_38 = arith.mulf %slice3A_34, %slice3A_21 : vector<2048x1xf32>
    %mul3A_39 = arith.mulf %slice3A_34, %slice3A_18 : vector<2048x1xf32>
    %neg3A = arith.constant 0.000000e+00 : f32
    %neg3A_40 = vector.broadcast %neg3A : f32 to vector<2048x1xf32>
    %neg3A_41 = arith.subf %neg3A_40, %slice3A_35 : vector<2048x1xf32>
    %mul3A_42 = arith.mulf %neg3A_41, %slice3A_20 : vector<2048x1xf32>
    %mul3A_43 = arith.mulf %mul3A_42, %min3A_26 : vector<2048x1xf32>
    %mul3A_44 = arith.mulf %slice3A_35, %slice3A_20 : vector<2048x1xf32>
    %mul3A_45 = arith.mulf %mul3A_44, %sqrt3A : vector<2048x1xf32>
    %mul3A_46 = arith.mulf %slice3A_35, %slice3A : vector<2048x1xf32>
    %concatenate3A = tpu.concatenate %mul3A_38, %broadcast_in_dim3A_37, %mul3A_39, %mul3A_43, %mul3A_45, %mul3A_46, %broadcast_in_dim3A_37, %broadcast_in_dim3A_37, %slice3A_36 in 1 : vector<2048x1xf32>, vector<2048x1xf32>, vector<2048x1xf32>, vector<2048x1xf32>, vector<2048x1xf32>, vector<2048x1xf32>, vector<2048x1xf32>, vector<2048x1xf32>, vector<2048x1xf32> -> vector<2048x9xf32>
    %swap3A = arith.constant 0 : index
    %swap3A_47 = arith.constant 0 : index
    %swap3A_48 = vector.load %arg9[%swap3A, %swap3A_47] : memref<2048x9xf32, #tpu.memory_space<vmem>>, vector<2048x9xf32>
    tpu.vector_store %arg9[%swap3A, %swap3A_47], %concatenate3A {strides = array<i32>} : memref<2048x9xf32, #tpu.memory_space<vmem>>, vector<2048x9xf32>,
    %get3A_49 = arith.constant 0 : index
    %get3A_50 = arith.constant 0 : index
    %get3A_51 = vector.load %arg2[%get3A_49, %get3A_50] : memref<3x256xf32, #tpu.memory_space<vmem>>, vector<3x256xf32>
    %dot_general3A = arith.constant dense<0.000000e+00> : vector<2048x256xf32>
    %dot_general3A_52 = tpu.matmul %add3A_5, %get3A_51, %dot_general3A {dimension_numbers = #tpu.dot_dimension_numbers<[1], [0], [0], [1], [0, 0, 1, 1], [], []>, transpose_lhs_hint = false} : vector<2048x3xf32>, vector<3x256xf32>, vector<2048x256xf32> -> vector<2048x256xf32>
    %get3A_53 = arith.constant 0 : index
    %get3A_54 = arith.constant 0 : index
    %get3A_55 = vector.load %arg3[%get3A_53, %get3A_54] : memref<3x256xf32, #tpu.memory_space<vmem>>, vector<3x256xf32>
    %dot_general3A_56 = arith.constant dense<0.000000e+00> : vector<2048x256xf32>
    %dot_general3A_57 = tpu.matmul %add3A_14, %get3A_55, %dot_general3A_56 {dimension_numbers = #tpu.dot_dimension_numbers<[1], [0], [0], [1], [0, 0, 1, 1], [], []>, transpose_lhs_hint = false} : vector<2048x3xf32>, vector<3x256xf32>, vector<2048x256xf32> -> vector<2048x256xf32>
    %add3A_58 = arith.addf %dot_general3A_52, %dot_general3A_57 : vector<2048x256xf32>
    %get3A_59 = arith.constant 0 : index
    %get3A_60 = arith.constant 0 : index
    %get3A_61 = vector.load %arg4[%get3A_59, %get3A_60] : memref<1x256xf32, #tpu.memory_space<vmem>>, vector<1x256xf32>
    %add3A_62 = vector.broadcast %get3A_61 : vector<1x256xf32> to vector<2048x256xf32>
    %add3A_63 = arith.addf %add3A_58, %add3A_62 : vector<2048x256xf32>
    %max3A_64 = arith.constant 0.000000e+00 : f32
    %max3A_65 = vector.broadcast %max3A_64 : f32 to vector<2048x256xf32>
    %max3A_66 = arith.maximumf %add3A_63, %max3A_65 : vector<2048x256xf32>
    %get3A_67 = arith.constant 0 : index
    %get3A_68 = arith.constant 0 : index
    %get3A_69 = vector.load %arg5[%get3A_67, %get3A_68] : memref<256x256xf32, #tpu.memory_space<vmem>>, vector<256x256xf32>
    %dot_general3A_70 = arith.constant dense<0.000000e+00> : vector<2048x256xf32>
    %dot_general3A_71 = tpu.matmul %max3A_66, %get3A_69, %dot_general3A_70 {dimension_numbers = #tpu.dot_dimension_numbers<[1], [0], [0], [1], [0, 0, 1, 1], [], []>, transpose_lhs_hint = false} : vector<2048x256xf32>, vector<256x256xf32>, vector<2048x256xf32> -> vector<2048x256xf32>
    %get3A_72 = arith.constant 0 : index
    %get3A_73 = arith.constant 0 : index
    %get3A_74 = vector.load %arg6[%get3A_72, %get3A_73] : memref<1x256xf32, #tpu.memory_space<vmem>>, vector<1x256xf32>
    %add3A_75 = vector.broadcast %get3A_74 : vector<1x256xf32> to vector<2048x256xf32>
    %add3A_76 = arith.addf %dot_general3A_71, %add3A_75 : vector<2048x256xf32>
    %max3A_77 = arith.constant 0.000000e+00 : f32
    %max3A_78 = vector.broadcast %max3A_77 : f32 to vector<2048x256xf32>
    %max3A_79 = arith.maximumf %add3A_76, %max3A_78 : vector<2048x256xf32>
    %get3A_80 = arith.constant 0 : index
    %get3A_81 = arith.constant 0 : index
    %get3A_82 = vector.load %arg7[%get3A_80, %get3A_81] : memref<256x12xf32, #tpu.memory_space<vmem>>, vector<256x12xf32>
    %dot_general3A_83 = arith.constant dense<0.000000e+00> : vector<2048x12xf32>
    %dot_general3A_84 = tpu.matmul %max3A_79, %get3A_82, %dot_general3A_83 {dimension_numbers = #tpu.dot_dimension_numbers<[1], [0], [0], [1], [0, 0, 1, 1], [], []>, transpose_lhs_hint = false} : vector<2048x256xf32>, vector<256x12xf32>, vector<2048x12xf32> -> vector<2048x12xf32>
    %get3A_85 = arith.constant 0 : index
    %get3A_86 = arith.constant 0 : index
    %get3A_87 = vector.load %arg8[%get3A_85, %get3A_86] : memref<1x12xf32, #tpu.memory_space<vmem>>, vector<1x12xf32>
    %add3A_88 = vector.broadcast %get3A_87 : vector<1x12xf32> to vector<2048x12xf32>
    %add3A_89 = arith.addf %dot_general3A_84, %add3A_88 : vector<2048x12xf32>
    %swap3A_90 = arith.constant 0 : index
    %swap3A_91 = arith.constant 0 : index
    %swap3A_92 = vector.load %arg10[%swap3A_90, %swap3A_91] : memref<2048x12xf32, #tpu.memory_space<vmem>>, vector<2048x12xf32>
    tpu.vector_store %arg10[%swap3A_90, %swap3A_91], %add3A_89 {strides = array<i32>} : memref<2048x12xf32, #tpu.memory_space<vmem>>, vector<2048x12xf32>,
    return
  }
}

module attributes {stable_mosaic.version = 14 : i64} {
  func.func @_graph_mid(%arg0: memref<2048x9xf32, #tpu.memory_space<vmem>>, %arg1: memref<2048x8xf32, #tpu.memory_space<vmem>>, %arg2: memref<2048x8xf32, #tpu.memory_space<vmem>>, %arg3: memref<2048x16xf32, #tpu.memory_space<vmem>>) attributes {dimension_semantics = [], scalar_prefetch = 0 : i64, scratch_operands = 0 : i64, tpu.core_type = #tpu.core_type<tc>} {
    %get3A = arith.constant 0 : index
    %get3A_0 = arith.constant 0 : index
    %get3A_1 = vector.load %arg1[%get3A, %get3A_0] : memref<2048x8xf32, #tpu.memory_space<vmem>>, vector<2048x8xf32>
    %get3A_2 = arith.constant 0 : index
    %get3A_3 = arith.constant 0 : index
    %get3A_4 = vector.load %arg2[%get3A_2, %get3A_3] : memref<2048x8xf32, #tpu.memory_space<vmem>>, vector<2048x8xf32>
    %add3A = arith.addf %get3A_1, %get3A_4 : vector<2048x8xf32>
    %slice3A = vector.extract_strided_slice %add3A {offsets = [0, 3], sizes = [2048, 1], strides = [1, 1]} : vector<2048x8xf32> to vector<2048x1xf32>
    %max3A = arith.constant 1.000000e+00 : f32
    %max3A_5 = vector.broadcast %max3A : f32 to vector<2048x1xf32>
    %max3A_6 = arith.maximumf %slice3A, %max3A_5 : vector<2048x1xf32>
    %slice3A_7 = vector.extract_strided_slice %add3A {offsets = [0, 0], sizes = [2048, 1], strides = [1, 1]} : vector<2048x8xf32> to vector<2048x1xf32>
    %div3A = arith.divf %slice3A_7, %max3A_6 : vector<2048x1xf32>
    %slice3A_8 = vector.extract_strided_slice %add3A {offsets = [0, 1], sizes = [2048, 1], strides = [1, 1]} : vector<2048x8xf32> to vector<2048x1xf32>
    %div3A_9 = arith.divf %slice3A_8, %max3A_6 : vector<2048x1xf32>
    %slice3A_10 = vector.extract_strided_slice %add3A {offsets = [0, 2], sizes = [2048, 1], strides = [1, 1]} : vector<2048x8xf32> to vector<2048x1xf32>
    %div3A_11 = arith.divf %slice3A_10, %max3A_6 : vector<2048x1xf32>
    %get3A_12 = arith.constant 0 : index
    %get3A_13 = arith.constant 0 : index
    %get3A_14 = vector.load %arg0[%get3A_12, %get3A_13] : memref<2048x9xf32, #tpu.memory_space<vmem>>, vector<2048x9xf32>
    %slice3A_15 = vector.extract_strided_slice %get3A_14 {offsets = [0, 0], sizes = [2048, 1], strides = [1, 1]} : vector<2048x9xf32> to vector<2048x1xf32>
    %mul3A = arith.mulf %div3A, %slice3A_15 : vector<2048x1xf32>
    %slice3A_16 = vector.extract_strided_slice %get3A_14 {offsets = [0, 3], sizes = [2048, 1], strides = [1, 1]} : vector<2048x9xf32> to vector<2048x1xf32>
    %mul3A_17 = arith.mulf %div3A_9, %slice3A_16 : vector<2048x1xf32>
    %add3A_18 = arith.addf %mul3A, %mul3A_17 : vector<2048x1xf32>
    %slice3A_19 = vector.extract_strided_slice %get3A_14 {offsets = [0, 6], sizes = [2048, 1], strides = [1, 1]} : vector<2048x9xf32> to vector<2048x1xf32>
    %mul3A_20 = arith.mulf %div3A_11, %slice3A_19 : vector<2048x1xf32>
    %add3A_21 = arith.addf %add3A_18, %mul3A_20 : vector<2048x1xf32>
    %slice3A_22 = vector.extract_strided_slice %get3A_14 {offsets = [0, 1], sizes = [2048, 1], strides = [1, 1]} : vector<2048x9xf32> to vector<2048x1xf32>
    %mul3A_23 = arith.mulf %div3A, %slice3A_22 : vector<2048x1xf32>
    %slice3A_24 = vector.extract_strided_slice %get3A_14 {offsets = [0, 4], sizes = [2048, 1], strides = [1, 1]} : vector<2048x9xf32> to vector<2048x1xf32>
    %mul3A_25 = arith.mulf %div3A_9, %slice3A_24 : vector<2048x1xf32>
    %add3A_26 = arith.addf %mul3A_23, %mul3A_25 : vector<2048x1xf32>
    %slice3A_27 = vector.extract_strided_slice %get3A_14 {offsets = [0, 7], sizes = [2048, 1], strides = [1, 1]} : vector<2048x9xf32> to vector<2048x1xf32>
    %mul3A_28 = arith.mulf %div3A_11, %slice3A_27 : vector<2048x1xf32>
    %add3A_29 = arith.addf %add3A_26, %mul3A_28 : vector<2048x1xf32>
    %slice3A_30 = vector.extract_strided_slice %get3A_14 {offsets = [0, 2], sizes = [2048, 1], strides = [1, 1]} : vector<2048x9xf32> to vector<2048x1xf32>
    %mul3A_31 = arith.mulf %div3A, %slice3A_30 : vector<2048x1xf32>
    %slice3A_32 = vector.extract_strided_slice %get3A_14 {offsets = [0, 5], sizes = [2048, 1], strides = [1, 1]} : vector<2048x9xf32> to vector<2048x1xf32>
    %mul3A_33 = arith.mulf %div3A_9, %slice3A_32 : vector<2048x1xf32>
    %add3A_34 = arith.addf %mul3A_31, %mul3A_33 : vector<2048x1xf32>
    %slice3A_35 = vector.extract_strided_slice %get3A_14 {offsets = [0, 8], sizes = [2048, 1], strides = [1, 1]} : vector<2048x9xf32> to vector<2048x1xf32>
    %mul3A_36 = arith.mulf %div3A_11, %slice3A_35 : vector<2048x1xf32>
    %add3A_37 = arith.addf %add3A_34, %mul3A_36 : vector<2048x1xf32>
    %broadcast_in_dim3A = arith.constant 0.000000e+00 : f32
    %broadcast_in_dim3A_38 = vector.broadcast %broadcast_in_dim3A : f32 to vector<2048x3xf32>
    %concatenate3A = tpu.concatenate %get3A_14, %add3A_21, %add3A_29, %add3A_37, %max3A_6, %broadcast_in_dim3A_38 in 1 : vector<2048x9xf32>, vector<2048x1xf32>, vector<2048x1xf32>, vector<2048x1xf32>, vector<2048x1xf32>, vector<2048x3xf32> -> vector<2048x16xf32>
    %swap3A = arith.constant 0 : index
    %swap3A_39 = arith.constant 0 : index
    %swap3A_40 = vector.load %arg3[%swap3A, %swap3A_39] : memref<2048x16xf32, #tpu.memory_space<vmem>>, vector<2048x16xf32>
    tpu.vector_store %arg3[%swap3A, %swap3A_39], %concatenate3A {strides = array<i32>} : memref<2048x16xf32, #tpu.memory_space<vmem>>, vector<2048x16xf32>,
    return
  }
}

module attributes {stable_mosaic.version = 14 : i64} {
  func.func @_pass_loss(%arg0: i32, %arg1: memref<1024x3xf32, #tpu.memory_space<vmem>>, %arg2: memref<1024x3xf32, #tpu.memory_space<vmem>>, %arg3: memref<1024x16xf32, #tpu.memory_space<vmem>>, %arg4: memref<1x128xf32, #tpu.memory_space<vmem>>) attributes {dimension_semantics = [#tpu.dimension_semantics<arbitrary>], iteration_bounds = array<i64: 98>, scalar_prefetch = 0 : i64, scratch_operands = 0 : i64, tpu.core_type = #tpu.core_type<tc>, window_params = [{transform_indices = @transform_0, window_bounds = array<i64: 1024, 3>}, {transform_indices = @transform_1, window_bounds = array<i64: 1024, 3>}, {transform_indices = @transform_2, window_bounds = array<i64: 1024, 16>}, {pipeline_mode = #tpu.pipeline_mode<synchronous>, transform_indices = @transform_3, window_bounds = array<i64: 1, 128>}]} {
    %get3A = arith.constant 0 : index
    %get3A_0 = arith.constant 0 : index
    %get3A_1 = vector.load %arg3[%get3A, %get3A_0] : memref<1024x16xf32, #tpu.memory_space<vmem>>, vector<1024x16xf32>
    %transpose3A = tpu.transpose %get3A_1, [1, 0] : vector<1024x16xf32> -> vector<16x1024xf32>
    %get3A_2 = arith.constant 0 : index
    %get3A_3 = arith.constant 0 : index
    %get3A_4 = vector.load %arg1[%get3A_2, %get3A_3] : memref<1024x3xf32, #tpu.memory_space<vmem>>, vector<1024x3xf32>
    %transpose3A_5 = tpu.transpose %get3A_4, [1, 0] : vector<1024x3xf32> -> vector<3x1024xf32>
    %slice3A = vector.extract_strided_slice %transpose3A_5 {offsets = [0, 0], sizes = [1, 1024], strides = [1, 1]} : vector<3x1024xf32> to vector<1x1024xf32>
    %slice3A_6 = vector.extract_strided_slice %transpose3A_5 {offsets = [1, 0], sizes = [1, 1024], strides = [1, 1]} : vector<3x1024xf32> to vector<1x1024xf32>
    %slice3A_7 = vector.extract_strided_slice %transpose3A_5 {offsets = [2, 0], sizes = [1, 1024], strides = [1, 1]} : vector<3x1024xf32> to vector<1x1024xf32>
    %iota3A = tpu.iota {dimensions = array<i32: 0>} : vector<27x1024xi32>
    %jit3A = arith.constant 9 : i32
    %div3A = vector.broadcast %jit3A : i32 to vector<27x1024xi32>
    %div3A_8 = arith.divsi %iota3A, %div3A : vector<27x1024xi32>
    %sign3A = arith.constant 0 : i32
    %sign3A_9 = vector.broadcast %sign3A : i32 to vector<27x1024xi32>
    %sign3A_10 = arith.cmpi sgt, %iota3A, %sign3A_9 : vector<27x1024xi32>
    %sign3A_11 = arith.extui %sign3A_10 : vector<27x1024xi1> to vector<27x1024xi32>
    %sign3A_12 = arith.constant 0 : i32
    %sign3A_13 = vector.broadcast %sign3A_12 : i32 to vector<27x1024xi32>
    %sign3A_14 = arith.cmpi slt, %iota3A, %sign3A_13 : vector<27x1024xi32>
    %sign3A_15 = arith.extui %sign3A_14 : vector<27x1024xi1> to vector<27x1024xi32>
    %sign3A_16 = arith.subi %sign3A_11, %sign3A_15 : vector<27x1024xi32>
    %sign3A_17 = arith.constant 0 : i32
    %sign3A_18 = arith.cmpi sgt, %jit3A, %sign3A_17 : i32
    %sign3A_19 = arith.extui %sign3A_18 : i1 to i32
    %sign3A_20 = arith.constant 0 : i32
    %sign3A_21 = arith.cmpi slt, %jit3A, %sign3A_20 : i32
    %sign3A_22 = arith.extui %sign3A_21 : i1 to i32
    %sign3A_23 = arith.subi %sign3A_19, %sign3A_22 : i32
    %ne3A = vector.broadcast %sign3A_23 : i32 to vector<27x1024xi32>
    %ne3A_24 = arith.cmpi ne, %sign3A_16, %ne3A : vector<27x1024xi32>
    %rem3A = vector.broadcast %jit3A : i32 to vector<27x1024xi32>
    %rem3A_25 = arith.remsi %iota3A, %rem3A : vector<27x1024xi32>
    %ne3A_26 = arith.constant 0 : i32
    %ne3A_27 = vector.broadcast %ne3A_26 : i32 to vector<27x1024xi32>
    %ne3A_28 = arith.cmpi ne, %rem3A_25, %ne3A_27 : vector<27x1024xi32>
    %and3A = arith.andi %ne3A_24, %ne3A_28 : vector<27x1024xi1>
    %sub3A = arith.constant 1 : i32
    %sub3A_29 = vector.broadcast %sub3A : i32 to vector<27x1024xi32>
    %sub3A_30 = arith.subi %div3A_8, %sub3A_29 : vector<27x1024xi32>
    %select_n3A = arith.select %and3A, %sub3A_30, %div3A_8 : vector<27x1024xi1>, vector<27x1024xi32>
    %sub3A_31 = arith.constant 1 : i32
    %sub3A_32 = vector.broadcast %sub3A_31 : i32 to vector<27x1024xi32>
    %sub3A_33 = arith.subi %select_n3A, %sub3A_32 : vector<27x1024xi32>
    %convert_element_type3A = arith.sitofp %sub3A_33 : vector<27x1024xi32> to vector<27x1024xf32>
    %jit3A_34 = arith.constant 3 : i32
    %div3A_35 = vector.broadcast %jit3A_34 : i32 to vector<27x1024xi32>
    %div3A_36 = arith.divsi %iota3A, %div3A_35 : vector<27x1024xi32>
    %sign3A_37 = arith.constant 0 : i32
    %sign3A_38 = vector.broadcast %sign3A_37 : i32 to vector<27x1024xi32>
    %sign3A_39 = arith.cmpi sgt, %iota3A, %sign3A_38 : vector<27x1024xi32>
    %sign3A_40 = arith.extui %sign3A_39 : vector<27x1024xi1> to vector<27x1024xi32>
    %sign3A_41 = arith.constant 0 : i32
    %sign3A_42 = vector.broadcast %sign3A_41 : i32 to vector<27x1024xi32>
    %sign3A_43 = arith.cmpi slt, %iota3A, %sign3A_42 : vector<27x1024xi32>
    %sign3A_44 = arith.extui %sign3A_43 : vector<27x1024xi1> to vector<27x1024xi32>
    %sign3A_45 = arith.subi %sign3A_40, %sign3A_44 : vector<27x1024xi32>
    %sign3A_46 = arith.constant 0 : i32
    %sign3A_47 = arith.cmpi sgt, %jit3A_34, %sign3A_46 : i32
    %sign3A_48 = arith.extui %sign3A_47 : i1 to i32
    %sign3A_49 = arith.constant 0 : i32
    %sign3A_50 = arith.cmpi slt, %jit3A_34, %sign3A_49 : i32
    %sign3A_51 = arith.extui %sign3A_50 : i1 to i32
    %sign3A_52 = arith.subi %sign3A_48, %sign3A_51 : i32
    %ne3A_53 = vector.broadcast %sign3A_52 : i32 to vector<27x1024xi32>
    %ne3A_54 = arith.cmpi ne, %sign3A_45, %ne3A_53 : vector<27x1024xi32>
    %rem3A_55 = vector.broadcast %jit3A_34 : i32 to vector<27x1024xi32>
    %rem3A_56 = arith.remsi %iota3A, %rem3A_55 : vector<27x1024xi32>
    %ne3A_57 = arith.constant 0 : i32
    %ne3A_58 = vector.broadcast %ne3A_57 : i32 to vector<27x1024xi32>
    %ne3A_59 = arith.cmpi ne, %rem3A_56, %ne3A_58 : vector<27x1024xi32>
    %and3A_60 = arith.andi %ne3A_54, %ne3A_59 : vector<27x1024xi1>
    %sub3A_61 = arith.constant 1 : i32
    %sub3A_62 = vector.broadcast %sub3A_61 : i32 to vector<27x1024xi32>
    %sub3A_63 = arith.subi %div3A_36, %sub3A_62 : vector<27x1024xi32>
    %select_n3A_64 = arith.select %and3A_60, %sub3A_63, %div3A_36 : vector<27x1024xi1>, vector<27x1024xi32>
    %jit3A_65 = arith.constant 3 : i32
    %eq3A = arith.constant 0 : i32
    %eq3A_66 = arith.cmpi eq, %jit3A_65, %eq3A : i32
    %jit3A_67 = arith.constant 1 : i32
    %select_n3A_68 = arith.select %eq3A_66, %jit3A_67, %jit3A_65 : i32
    %rem3A_69 = vector.broadcast %select_n3A_68 : i32 to vector<27x1024xi32>
    %rem3A_70 = arith.remsi %select_n3A_64, %rem3A_69 : vector<27x1024xi32>
    %ne3A_71 = arith.constant 0 : i32
    %ne3A_72 = vector.broadcast %ne3A_71 : i32 to vector<27x1024xi32>
    %ne3A_73 = arith.cmpi ne, %rem3A_70, %ne3A_72 : vector<27x1024xi32>
    %lt3A = arith.constant 0 : i32
    %lt3A_74 = vector.broadcast %lt3A : i32 to vector<27x1024xi32>
    %lt3A_75 = arith.cmpi slt, %rem3A_70, %lt3A_74 : vector<27x1024xi32>
    %lt3A_76 = arith.constant 0 : i32
    %lt3A_77 = arith.cmpi slt, %select_n3A_68, %lt3A_76 : i32
    %ne3A_78 = vector.broadcast %lt3A_77 : i1 to vector<27x1024xi1>
    %ne3A_79 = vector.broadcast %ne3A_78 : vector<27x1024xi1> to vector<27x1024xi1>
    %ne3A_80 = arith.xori %lt3A_75, %ne3A_79 : vector<27x1024xi1>
    %and3A_81 = arith.andi %ne3A_80, %ne3A_73 : vector<27x1024xi1>
    %add3A = vector.broadcast %select_n3A_68 : i32 to vector<27x1024xi32>
    %add3A_82 = arith.addi %rem3A_70, %add3A : vector<27x1024xi32>
    %select_n3A_83 = arith.select %and3A_81, %add3A_82, %rem3A_70 : vector<27x1024xi1>, vector<27x1024xi32>
    %sub3A_84 = arith.constant 1 : i32
    %sub3A_85 = vector.broadcast %sub3A_84 : i32 to vector<27x1024xi32>
    %sub3A_86 = arith.subi %select_n3A_83, %sub3A_85 : vector<27x1024xi32>
    %convert_element_type3A_87 = arith.sitofp %sub3A_86 : vector<27x1024xi32> to vector<27x1024xf32>
    %jit3A_88 = arith.constant 3 : i32
    %eq3A_89 = arith.constant 0 : i32
    %eq3A_90 = arith.cmpi eq, %jit3A_88, %eq3A_89 : i32
    %jit3A_91 = arith.constant 1 : i32
    %select_n3A_92 = arith.select %eq3A_90, %jit3A_91, %jit3A_88 : i32
    %rem3A_93 = vector.broadcast %select_n3A_92 : i32 to vector<27x1024xi32>
    %rem3A_94 = arith.remsi %iota3A, %rem3A_93 : vector<27x1024xi32>
    %ne3A_95 = arith.constant 0 : i32
    %ne3A_96 = vector.broadcast %ne3A_95 : i32 to vector<27x1024xi32>
    %ne3A_97 = arith.cmpi ne, %rem3A_94, %ne3A_96 : vector<27x1024xi32>
    %lt3A_98 = arith.constant 0 : i32
    %lt3A_99 = vector.broadcast %lt3A_98 : i32 to vector<27x1024xi32>
    %lt3A_100 = arith.cmpi slt, %rem3A_94, %lt3A_99 : vector<27x1024xi32>
    %lt3A_101 = arith.constant 0 : i32
    %lt3A_102 = arith.cmpi slt, %select_n3A_92, %lt3A_101 : i32
    %ne3A_103 = vector.broadcast %lt3A_102 : i1 to vector<27x1024xi1>
    %ne3A_104 = vector.broadcast %ne3A_103 : vector<27x1024xi1> to vector<27x1024xi1>
    %ne3A_105 = arith.xori %lt3A_100, %ne3A_104 : vector<27x1024xi1>
    %and3A_106 = arith.andi %ne3A_105, %ne3A_97 : vector<27x1024xi1>
    %add3A_107 = vector.broadcast %select_n3A_92 : i32 to vector<27x1024xi32>
    %add3A_108 = arith.addi %rem3A_94, %add3A_107 : vector<27x1024xi32>
    %select_n3A_109 = arith.select %and3A_106, %add3A_108, %rem3A_94 : vector<27x1024xi1>, vector<27x1024xi32>
    %sub3A_110 = arith.constant 1 : i32
    %sub3A_111 = vector.broadcast %sub3A_110 : i32 to vector<27x1024xi32>
    %sub3A_112 = arith.subi %select_n3A_109, %sub3A_111 : vector<27x1024xi32>
    %convert_element_type3A_113 = arith.sitofp %sub3A_112 : vector<27x1024xi32> to vector<27x1024xf32>
    %sub3A_114 = vector.broadcast %slice3A : vector<1x1024xf32> to vector<27x1024xf32>
    %sub3A_115 = arith.subf %sub3A_114, %convert_element_type3A : vector<27x1024xf32>
    %sub3A_116 = vector.broadcast %slice3A_6 : vector<1x1024xf32> to vector<27x1024xf32>
    %sub3A_117 = arith.subf %sub3A_116, %convert_element_type3A_87 : vector<27x1024xf32>
    %sub3A_118 = vector.broadcast %slice3A_7 : vector<1x1024xf32> to vector<27x1024xf32>
    %sub3A_119 = arith.subf %sub3A_118, %convert_element_type3A_113 : vector<27x1024xf32>
    %slice3A_120 = vector.extract_strided_slice %transpose3A {offsets = [0, 0], sizes = [1, 1024], strides = [1, 1]} : vector<16x1024xf32> to vector<1x1024xf32>
    %mul3A = vector.broadcast %slice3A_120 : vector<1x1024xf32> to vector<27x1024xf32>
    %mul3A_121 = arith.mulf %sub3A_115, %mul3A : vector<27x1024xf32>
    %slice3A_122 = vector.extract_strided_slice %transpose3A {offsets = [3, 0], sizes = [1, 1024], strides = [1, 1]} : vector<16x1024xf32> to vector<1x1024xf32>
    %mul3A_123 = vector.broadcast %slice3A_122 : vector<1x1024xf32> to vector<27x1024xf32>
    %mul3A_124 = arith.mulf %sub3A_117, %mul3A_123 : vector<27x1024xf32>
    %add3A_125 = arith.addf %mul3A_121, %mul3A_124 : vector<27x1024xf32>
    %slice3A_126 = vector.extract_strided_slice %transpose3A {offsets = [6, 0], sizes = [1, 1024], strides = [1, 1]} : vector<16x1024xf32> to vector<1x1024xf32>
    %mul3A_127 = vector.broadcast %slice3A_126 : vector<1x1024xf32> to vector<27x1024xf32>
    %mul3A_128 = arith.mulf %sub3A_119, %mul3A_127 : vector<27x1024xf32>
    %add3A_129 = arith.addf %add3A_125, %mul3A_128 : vector<27x1024xf32>
    %slice3A_130 = vector.extract_strided_slice %transpose3A {offsets = [9, 0], sizes = [1, 1024], strides = [1, 1]} : vector<16x1024xf32> to vector<1x1024xf32>
    %sub3A_131 = vector.broadcast %slice3A_130 : vector<1x1024xf32> to vector<27x1024xf32>
    %sub3A_132 = arith.subf %add3A_129, %sub3A_131 : vector<27x1024xf32>
    %slice3A_133 = vector.extract_strided_slice %transpose3A {offsets = [1, 0], sizes = [1, 1024], strides = [1, 1]} : vector<16x1024xf32> to vector<1x1024xf32>
    %mul3A_134 = vector.broadcast %slice3A_133 : vector<1x1024xf32> to vector<27x1024xf32>
    %mul3A_135 = arith.mulf %sub3A_115, %mul3A_134 : vector<27x1024xf32>
    %slice3A_136 = vector.extract_strided_slice %transpose3A {offsets = [4, 0], sizes = [1, 1024], strides = [1, 1]} : vector<16x1024xf32> to vector<1x1024xf32>
    %mul3A_137 = vector.broadcast %slice3A_136 : vector<1x1024xf32> to vector<27x1024xf32>
    %mul3A_138 = arith.mulf %sub3A_117, %mul3A_137 : vector<27x1024xf32>
    %add3A_139 = arith.addf %mul3A_135, %mul3A_138 : vector<27x1024xf32>
    %slice3A_140 = vector.extract_strided_slice %transpose3A {offsets = [7, 0], sizes = [1, 1024], strides = [1, 1]} : vector<16x1024xf32> to vector<1x1024xf32>
    %mul3A_141 = vector.broadcast %slice3A_140 : vector<1x1024xf32> to vector<27x1024xf32>
    %mul3A_142 = arith.mulf %sub3A_119, %mul3A_141 : vector<27x1024xf32>
    %add3A_143 = arith.addf %add3A_139, %mul3A_142 : vector<27x1024xf32>
    %slice3A_144 = vector.extract_strided_slice %transpose3A {offsets = [10, 0], sizes = [1, 1024], strides = [1, 1]} : vector<16x1024xf32> to vector<1x1024xf32>
    %sub3A_145 = vector.broadcast %slice3A_144 : vector<1x1024xf32> to vector<27x1024xf32>
    %sub3A_146 = arith.subf %add3A_143, %sub3A_145 : vector<27x1024xf32>
    %slice3A_147 = vector.extract_strided_slice %transpose3A {offsets = [2, 0], sizes = [1, 1024], strides = [1, 1]} : vector<16x1024xf32> to vector<1x1024xf32>
    %mul3A_148 = vector.broadcast %slice3A_147 : vector<1x1024xf32> to vector<27x1024xf32>
    %mul3A_149 = arith.mulf %sub3A_115, %mul3A_148 : vector<27x1024xf32>
    %slice3A_150 = vector.extract_strided_slice %transpose3A {offsets = [5, 0], sizes = [1, 1024], strides = [1, 1]} : vector<16x1024xf32> to vector<1x1024xf32>
    %mul3A_151 = vector.broadcast %slice3A_150 : vector<1x1024xf32> to vector<27x1024xf32>
    %mul3A_152 = arith.mulf %sub3A_117, %mul3A_151 : vector<27x1024xf32>
    %add3A_153 = arith.addf %mul3A_149, %mul3A_152 : vector<27x1024xf32>
    %slice3A_154 = vector.extract_strided_slice %transpose3A {offsets = [8, 0], sizes = [1, 1024], strides = [1, 1]} : vector<16x1024xf32> to vector<1x1024xf32>
    %mul3A_155 = vector.broadcast %slice3A_154 : vector<1x1024xf32> to vector<27x1024xf32>
    %mul3A_156 = arith.mulf %sub3A_119, %mul3A_155 : vector<27x1024xf32>
    %add3A_157 = arith.addf %add3A_153, %mul3A_156 : vector<27x1024xf32>
    %slice3A_158 = vector.extract_strided_slice %transpose3A {offsets = [11, 0], sizes = [1, 1024], strides = [1, 1]} : vector<16x1024xf32> to vector<1x1024xf32>
    %sub3A_159 = vector.broadcast %slice3A_158 : vector<1x1024xf32> to vector<27x1024xf32>
    %sub3A_160 = arith.subf %add3A_157, %sub3A_159 : vector<27x1024xf32>
    %mul3A_161 = arith.mulf %sub3A_132, %sub3A_132 : vector<27x1024xf32>
    %mul3A_162 = arith.mulf %sub3A_146, %sub3A_146 : vector<27x1024xf32>
    %add3A_163 = arith.addf %mul3A_161, %mul3A_162 : vector<27x1024xf32>
    %mul3A_164 = arith.mulf %sub3A_160, %sub3A_160 : vector<27x1024xf32>
    %add3A_165 = arith.addf %add3A_163, %mul3A_164 : vector<27x1024xf32>
    %reduce_min3A = arith.constant dense<0x7F800000> : vector<1024xf32>
    %reduce_min3A_166 = vector.multi_reduction <minimumf>, %add3A_165, %reduce_min3A [0] : vector<27x1024xf32> to vector<1024xf32>
    %broadcast_in_dim3A = vector.shape_cast %reduce_min3A_166 : vector<1024xf32> to vector<1x1024xf32>
    %le3A = vector.broadcast %broadcast_in_dim3A : vector<1x1024xf32> to vector<27x1024xf32>
    %le3A_167 = arith.cmpf ole, %add3A_165, %le3A : vector<27x1024xf32>
    %jit3A_168 = arith.constant 27 : i32
    %broadcast_in_dim3A_169 = vector.broadcast %jit3A_168 : i32 to vector<27x1024xi32>
    %select_n3A_170 = arith.select %le3A_167, %iota3A, %broadcast_in_dim3A_169 : vector<27x1024xi1>, vector<27x1024xi32>
    %reduce_min3A_171 = arith.constant dense<2147483647> : vector<1024xi32>
    %reduce_min3A_172 = vector.multi_reduction <minsi>, %select_n3A_170, %reduce_min3A_171 [0] : vector<27x1024xi32> to vector<1024xi32>
    %broadcast_in_dim3A_173 = vector.shape_cast %reduce_min3A_172 : vector<1024xi32> to vector<1x1024xi32>
    %eq3A_174 = vector.broadcast %broadcast_in_dim3A_173 : vector<1x1024xi32> to vector<27x1024xi32>
    %eq3A_175 = arith.cmpi eq, %iota3A, %eq3A_174 : vector<27x1024xi32>
    %convert_element_type3A_176 = arith.extui %eq3A_175 : vector<27x1024xi1> to vector<27x1024xi32>
    %convert_element_type3A_177 = arith.sitofp %convert_element_type3A_176 : vector<27x1024xi32> to vector<27x1024xf32>
    %mul3A_178 = arith.mulf %convert_element_type3A_177, %sub3A_132 : vector<27x1024xf32>
    %reduce_sum3A = arith.constant dense<0.000000e+00> : vector<1024xf32>
    %reduce_sum3A_179 = vector.multi_reduction <add>, %mul3A_178, %reduce_sum3A [0] : vector<27x1024xf32> to vector<1024xf32>
    %broadcast_in_dim3A_180 = vector.shape_cast %reduce_sum3A_179 : vector<1024xf32> to vector<1x1024xf32>
    %mul3A_181 = arith.mulf %convert_element_type3A_177, %sub3A_146 : vector<27x1024xf32>
    %reduce_sum3A_182 = arith.constant dense<0.000000e+00> : vector<1024xf32>
    %reduce_sum3A_183 = vector.multi_reduction <add>, %mul3A_181, %reduce_sum3A_182 [0] : vector<27x1024xf32> to vector<1024xf32>
    %broadcast_in_dim3A_184 = vector.shape_cast %reduce_sum3A_183 : vector<1024xf32> to vector<1x1024xf32>
    %mul3A_185 = arith.mulf %convert_element_type3A_177, %sub3A_160 : vector<27x1024xf32>
    %reduce_sum3A_186 = arith.constant dense<0.000000e+00> : vector<1024xf32>
    %reduce_sum3A_187 = vector.multi_reduction <add>, %mul3A_185, %reduce_sum3A_186 [0] : vector<27x1024xf32> to vector<1024xf32>
    %broadcast_in_dim3A_188 = vector.shape_cast %reduce_sum3A_187 : vector<1024xf32> to vector<1x1024xf32>
    %get3A_189 = arith.constant 0 : index
    %get3A_190 = arith.constant 0 : index
    %get3A_191 = vector.load %arg2[%get3A_189, %get3A_190] : memref<1024x3xf32, #tpu.memory_space<vmem>>, vector<1024x3xf32>
    %transpose3A_192 = tpu.transpose %get3A_191, [1, 0] : vector<1024x3xf32> -> vector<3x1024xf32>
    %slice3A_193 = vector.extract_strided_slice %transpose3A_192 {offsets = [0, 0], sizes = [1, 1024], strides = [1, 1]} : vector<3x1024xf32> to vector<1x1024xf32>
    %sub3A_194 = arith.subf %broadcast_in_dim3A_180, %slice3A_193 : vector<1x1024xf32>
    %slice3A_195 = vector.extract_strided_slice %transpose3A_192 {offsets = [1, 0], sizes = [1, 1024], strides = [1, 1]} : vector<3x1024xf32> to vector<1x1024xf32>
    %sub3A_196 = arith.subf %broadcast_in_dim3A_184, %slice3A_195 : vector<1x1024xf32>
    %slice3A_197 = vector.extract_strided_slice %transpose3A_192 {offsets = [2, 0], sizes = [1, 1024], strides = [1, 1]} : vector<3x1024xf32> to vector<1x1024xf32>
    %sub3A_198 = arith.subf %broadcast_in_dim3A_188, %slice3A_197 : vector<1x1024xf32>
    %mul3A_199 = arith.mulf %sub3A_194, %sub3A_194 : vector<1x1024xf32>
    %mul3A_200 = arith.mulf %sub3A_196, %sub3A_196 : vector<1x1024xf32>
    %add3A_201 = arith.addf %mul3A_199, %mul3A_200 : vector<1x1024xf32>
    %mul3A_202 = arith.mulf %sub3A_198, %sub3A_198 : vector<1x1024xf32>
    %add3A_203 = arith.addf %add3A_201, %mul3A_202 : vector<1x1024xf32>
    %mul3A_204 = arith.constant 5.000000e-01 : f32
    %mul3A_205 = vector.broadcast %mul3A_204 : f32 to vector<1x1024xf32>
    %mul3A_206 = arith.mulf %mul3A_205, %add3A_203 : vector<1x1024xf32>
    %mul3A_207 = arith.mulf %mul3A_206, %add3A_203 : vector<1x1024xf32>
    %slice3A_208 = vector.extract_strided_slice %transpose3A {offsets = [12, 0], sizes = [1, 1024], strides = [1, 1]} : vector<16x1024xf32> to vector<1x1024xf32>
    %div3A_209 = arith.divf %mul3A_207, %slice3A_208 : vector<1x1024xf32>
    %iota3A_210 = tpu.iota {dimensions = array<i32: 1>} : vector<1x1024xi32>
    %mul3A_211 = arith.constant 1024 : i32
    %mul3A_212 = arith.muli %arg0, %mul3A_211 : i32
    %add3A_213 = vector.broadcast %mul3A_212 : i32 to vector<1x1024xi32>
    %add3A_214 = arith.addi %add3A_213, %iota3A_210 : vector<1x1024xi32>
    %lt3A_215 = arith.constant 100000 : i32
    %lt3A_216 = vector.broadcast %lt3A_215 : i32 to vector<1x1024xi32>
    %lt3A_217 = arith.cmpi slt, %add3A_214, %lt3A_216 : vector<1x1024xi32>
    %jit3A_218 = arith.constant 0.000000e+00 : f32
    %broadcast_in_dim3A_219 = vector.broadcast %jit3A_218 : f32 to vector<1x1024xf32>
    %select_n3A_220 = arith.select %lt3A_217, %div3A_209, %broadcast_in_dim3A_219 : vector<1x1024xi1>, vector<1x1024xf32>
    %reduce_sum3A_221 = arith.constant dense<0.000000e+00> : vector<1xf32>
    %reduce_sum3A_222 = vector.multi_reduction <add>, %select_n3A_220, %reduce_sum3A_221 [1] : vector<1x1024xf32> to vector<1xf32>
    %broadcast_in_dim3A_223 = vector.shape_cast %reduce_sum3A_222 : vector<1xf32> to vector<1x1xf32>
    %eq3A_224 = arith.constant 0 : i32
    %eq3A_225 = arith.cmpi eq, %arg0, %eq3A_224 : i32
    %convert_element_type3A_226 = arith.extui %eq3A_225 : i1 to i32
    %cond3A = arith.constant 0 : i32
    %cond3A_227 = arith.cmpi ne, %convert_element_type3A_226, %cond3A : i32
    scf.if %cond3A_227 {
      %broadcast_in_dim3A_235 = arith.constant 0.000000e+00 : f32
      %broadcast_in_dim3A_236 = vector.broadcast %broadcast_in_dim3A_235 : f32 to vector<1x128xf32>
      %swap3A_237 = arith.constant 0 : index
      %swap3A_238 = arith.constant 0 : index
      %swap3A_239 = vector.load %arg4[%swap3A_237, %swap3A_238] : memref<1x128xf32, #tpu.memory_space<vmem>>, vector<1x128xf32>
      tpu.vector_store %arg4[%swap3A_237, %swap3A_238], %broadcast_in_dim3A_236 {strides = array<i32>} : memref<1x128xf32, #tpu.memory_space<vmem>>, vector<1x128xf32>,
    } else {
    }
    %get3A_228 = arith.constant 0 : index
    %get3A_229 = arith.constant 0 : index
    %get3A_230 = vector.load %arg4[%get3A_228, %get3A_229] : memref<1x128xf32, #tpu.memory_space<vmem>>, vector<1x128xf32>
    %add3A_231 = vector.broadcast %broadcast_in_dim3A_223 : vector<1x1xf32> to vector<1x128xf32>
    %add3A_232 = arith.addf %get3A_230, %add3A_231 : vector<1x128xf32>
    %swap3A = arith.constant 0 : index
    %swap3A_233 = arith.constant 0 : index
    %swap3A_234 = vector.load %arg4[%swap3A, %swap3A_233] : memref<1x128xf32, #tpu.memory_space<vmem>>, vector<1x128xf32>
    tpu.vector_store %arg4[%swap3A, %swap3A_233], %add3A_232 {strides = array<i32>} : memref<1x128xf32, #tpu.memory_space<vmem>>, vector<1x128xf32>,
    return
  }
  func.func @transform_0(%arg0: i32) -> (i32, i32) {
    %c0_i32 = arith.constant 0 : i32
    %c0_i32_0 = arith.constant 0 : i32
    return %arg0, %c0_i32 : i32, i32
  }
  func.func @transform_1(%arg0: i32) -> (i32, i32) {
    %c0_i32 = arith.constant 0 : i32
    %c0_i32_0 = arith.constant 0 : i32
    return %arg0, %c0_i32 : i32, i32
  }
  func.func @transform_2(%arg0: i32) -> (i32, i32) {
    %c0_i32 = arith.constant 0 : i32
    %c0_i32_0 = arith.constant 0 : i32
    return %arg0, %c0_i32 : i32, i32
  }
  func.func @transform_3(%arg0: i32) -> (i32, i32) {
    %c0_i32 = arith.constant 0 : i32
    %c0_i32_0 = arith.constant 0 : i32
    %c0_i32_1 = arith.constant 0 : i32
    return %c0_i32, %c0_i32_0 : i32, i32
  }
}

module attributes {stable_mosaic.version = 14 : i64} {
  func.func @_head(%arg0: memref<2048x72xf32, #tpu.memory_space<vmem>>, %arg1: memref<2048x72xf32, #tpu.memory_space<vmem>>, %arg2: memref<2048x8xf32, #tpu.memory_space<vmem>>, %arg3: memref<2048x8xf32, #tpu.memory_space<vmem>>, %arg4: memref<2048x12xf32, #tpu.memory_space<vmem>>, %arg5: memref<1x128xf32, #tpu.memory_space<vmem>>, %arg6: memref<12x70xf32, #tpu.memory_space<vmem>>, %arg7: memref<1x70xf32, #tpu.memory_space<vmem>>, %arg8: memref<70x35xf32, #tpu.memory_space<vmem>>, %arg9: memref<1x35xf32, #tpu.memory_space<vmem>>, %arg10: memref<35x17xf32, #tpu.memory_space<vmem>>, %arg11: memref<1x17xf32, #tpu.memory_space<vmem>>, %arg12: memref<17x1xf32, #tpu.memory_space<vmem>>, %arg13: memref<1x1xf32, #tpu.memory_space<vmem>>, %arg14: memref<2048x1xf32, #tpu.memory_space<vmem>>, %arg15: memref<1x1xf32, #tpu.memory_space<vmem>>) attributes {dimension_semantics = [], scalar_prefetch = 0 : i64, scratch_operands = 0 : i64, tpu.core_type = #tpu.core_type<tc>} {
    %get3A = arith.constant 0 : index
    %get3A_0 = arith.constant 0 : index
    %get3A_1 = vector.load %arg2[%get3A, %get3A_0] : memref<2048x8xf32, #tpu.memory_space<vmem>>, vector<2048x8xf32>
    %get3A_2 = arith.constant 0 : index
    %get3A_3 = arith.constant 0 : index
    %get3A_4 = vector.load %arg3[%get3A_2, %get3A_3] : memref<2048x8xf32, #tpu.memory_space<vmem>>, vector<2048x8xf32>
    %add3A = arith.addf %get3A_1, %get3A_4 : vector<2048x8xf32>
    %slice3A = vector.extract_strided_slice %add3A {offsets = [0, 3], sizes = [2048, 1], strides = [1, 1]} : vector<2048x8xf32> to vector<2048x1xf32>
    %max3A = arith.constant 1.000000e+00 : f32
    %max3A_5 = vector.broadcast %max3A : f32 to vector<2048x1xf32>
    %max3A_6 = arith.maximumf %slice3A, %max3A_5 : vector<2048x1xf32>
    %get3A_7 = arith.constant 0 : index
    %get3A_8 = arith.constant 0 : index
    %get3A_9 = vector.load %arg0[%get3A_7, %get3A_8] : memref<2048x72xf32, #tpu.memory_space<vmem>>, vector<2048x72xf32>
    %get3A_10 = arith.constant 0 : index
    %get3A_11 = arith.constant 0 : index
    %get3A_12 = vector.load %arg1[%get3A_10, %get3A_11] : memref<2048x72xf32, #tpu.memory_space<vmem>>, vector<2048x72xf32>
    %add3A_13 = arith.addf %get3A_9, %get3A_12 : vector<2048x72xf32>
    %slice3A_14 = vector.extract_strided_slice %add3A_13 {offsets = [0, 0], sizes = [2048, 70], strides = [1, 1]} : vector<2048x72xf32> to vector<2048x70xf32>
    %div3A = vector.broadcast %max3A_6 : vector<2048x1xf32> to vector<2048x70xf32>
    %div3A_15 = arith.divf %slice3A_14, %div3A : vector<2048x70xf32>
    %get3A_16 = arith.constant 0 : index
    %get3A_17 = arith.constant 0 : index
    %get3A_18 = vector.load %arg4[%get3A_16, %get3A_17] : memref<2048x12xf32, #tpu.memory_space<vmem>>, vector<2048x12xf32>
    %get3A_19 = arith.constant 0 : index
    %get3A_20 = arith.constant 0 : index
    %get3A_21 = vector.load %arg6[%get3A_19, %get3A_20] : memref<12x70xf32, #tpu.memory_space<vmem>>, vector<12x70xf32>
    %dot_general3A = arith.constant dense<0.000000e+00> : vector<2048x70xf32>
    %dot_general3A_22 = tpu.matmul %get3A_18, %get3A_21, %dot_general3A {dimension_numbers = #tpu.dot_dimension_numbers<[1], [0], [0], [1], [0, 0, 1, 1], [], []>, transpose_lhs_hint = false} : vector<2048x12xf32>, vector<12x70xf32>, vector<2048x70xf32> -> vector<2048x70xf32>
    %add3A_23 = arith.addf %div3A_15, %dot_general3A_22 : vector<2048x70xf32>
    %get3A_24 = arith.constant 0 : index
    %get3A_25 = arith.constant 0 : index
    %get3A_26 = vector.load %arg7[%get3A_24, %get3A_25] : memref<1x70xf32, #tpu.memory_space<vmem>>, vector<1x70xf32>
    %add3A_27 = vector.broadcast %get3A_26 : vector<1x70xf32> to vector<2048x70xf32>
    %add3A_28 = arith.addf %add3A_23, %add3A_27 : vector<2048x70xf32>
    %gt3A = arith.constant 0.000000e+00 : f32
    %gt3A_29 = vector.broadcast %gt3A : f32 to vector<2048x70xf32>
    %gt3A_30 = arith.cmpf ogt, %add3A_28, %gt3A_29 : vector<2048x70xf32>
    %mul3A = arith.constant 0.00999999977 : f32
    %mul3A_31 = vector.broadcast %mul3A : f32 to vector<2048x70xf32>
    %mul3A_32 = arith.mulf %mul3A_31, %add3A_28 : vector<2048x70xf32>
    %select_n3A = arith.select %gt3A_30, %add3A_28, %mul3A_32 : vector<2048x70xi1>, vector<2048x70xf32>
    %get3A_33 = arith.constant 0 : index
    %get3A_34 = arith.constant 0 : index
    %get3A_35 = vector.load %arg8[%get3A_33, %get3A_34] : memref<70x35xf32, #tpu.memory_space<vmem>>, vector<70x35xf32>
    %dot_general3A_36 = arith.constant dense<0.000000e+00> : vector<2048x35xf32>
    %dot_general3A_37 = tpu.matmul %select_n3A, %get3A_35, %dot_general3A_36 {dimension_numbers = #tpu.dot_dimension_numbers<[1], [0], [0], [1], [0, 0, 1, 1], [], []>, transpose_lhs_hint = false} : vector<2048x70xf32>, vector<70x35xf32>, vector<2048x35xf32> -> vector<2048x35xf32>
    %get3A_38 = arith.constant 0 : index
    %get3A_39 = arith.constant 0 : index
    %get3A_40 = vector.load %arg9[%get3A_38, %get3A_39] : memref<1x35xf32, #tpu.memory_space<vmem>>, vector<1x35xf32>
    %add3A_41 = vector.broadcast %get3A_40 : vector<1x35xf32> to vector<2048x35xf32>
    %add3A_42 = arith.addf %dot_general3A_37, %add3A_41 : vector<2048x35xf32>
    %gt3A_43 = arith.constant 0.000000e+00 : f32
    %gt3A_44 = vector.broadcast %gt3A_43 : f32 to vector<2048x35xf32>
    %gt3A_45 = arith.cmpf ogt, %add3A_42, %gt3A_44 : vector<2048x35xf32>
    %mul3A_46 = arith.constant 0.00999999977 : f32
    %mul3A_47 = vector.broadcast %mul3A_46 : f32 to vector<2048x35xf32>
    %mul3A_48 = arith.mulf %mul3A_47, %add3A_42 : vector<2048x35xf32>
    %select_n3A_49 = arith.select %gt3A_45, %add3A_42, %mul3A_48 : vector<2048x35xi1>, vector<2048x35xf32>
    %get3A_50 = arith.constant 0 : index
    %get3A_51 = arith.constant 0 : index
    %get3A_52 = vector.load %arg10[%get3A_50, %get3A_51] : memref<35x17xf32, #tpu.memory_space<vmem>>, vector<35x17xf32>
    %dot_general3A_53 = arith.constant dense<0.000000e+00> : vector<2048x17xf32>
    %dot_general3A_54 = tpu.matmul %select_n3A_49, %get3A_52, %dot_general3A_53 {dimension_numbers = #tpu.dot_dimension_numbers<[1], [0], [0], [1], [0, 0, 1, 1], [], []>, transpose_lhs_hint = false} : vector<2048x35xf32>, vector<35x17xf32>, vector<2048x17xf32> -> vector<2048x17xf32>
    %get3A_55 = arith.constant 0 : index
    %get3A_56 = arith.constant 0 : index
    %get3A_57 = vector.load %arg11[%get3A_55, %get3A_56] : memref<1x17xf32, #tpu.memory_space<vmem>>, vector<1x17xf32>
    %add3A_58 = vector.broadcast %get3A_57 : vector<1x17xf32> to vector<2048x17xf32>
    %add3A_59 = arith.addf %dot_general3A_54, %add3A_58 : vector<2048x17xf32>
    %gt3A_60 = arith.constant 0.000000e+00 : f32
    %gt3A_61 = vector.broadcast %gt3A_60 : f32 to vector<2048x17xf32>
    %gt3A_62 = arith.cmpf ogt, %add3A_59, %gt3A_61 : vector<2048x17xf32>
    %mul3A_63 = arith.constant 0.00999999977 : f32
    %mul3A_64 = vector.broadcast %mul3A_63 : f32 to vector<2048x17xf32>
    %mul3A_65 = arith.mulf %mul3A_64, %add3A_59 : vector<2048x17xf32>
    %select_n3A_66 = arith.select %gt3A_62, %add3A_59, %mul3A_65 : vector<2048x17xi1>, vector<2048x17xf32>
    %get3A_67 = arith.constant 0 : index
    %get3A_68 = arith.constant 0 : index
    %get3A_69 = vector.load %arg12[%get3A_67, %get3A_68] : memref<17x1xf32, #tpu.memory_space<vmem>>, vector<17x1xf32>
    %dot_general3A_70 = arith.constant dense<0.000000e+00> : vector<2048x1xf32>
    %dot_general3A_71 = tpu.matmul %select_n3A_66, %get3A_69, %dot_general3A_70 {dimension_numbers = #tpu.dot_dimension_numbers<[1], [0], [0], [1], [0, 0, 1, 1], [], []>, transpose_lhs_hint = false} : vector<2048x17xf32>, vector<17x1xf32>, vector<2048x1xf32> -> vector<2048x1xf32>
    %get3A_72 = arith.constant 0 : index
    %get3A_73 = arith.constant 0 : index
    %get3A_74 = vector.load %arg13[%get3A_72, %get3A_73] : memref<1x1xf32, #tpu.memory_space<vmem>>, vector<1x1xf32>
    %add3A_75 = vector.broadcast %get3A_74 : vector<1x1xf32> to vector<2048x1xf32>
    %add3A_76 = arith.addf %dot_general3A_71, %add3A_75 : vector<2048x1xf32>
    %swap3A = arith.constant 0 : index
    %swap3A_77 = arith.constant 0 : index
    %swap3A_78 = vector.load %arg14[%swap3A, %swap3A_77] : memref<2048x1xf32, #tpu.memory_space<vmem>>, vector<2048x1xf32>
    tpu.vector_store %arg14[%swap3A, %swap3A_77], %add3A_76 {strides = array<i32>} : memref<2048x1xf32, #tpu.memory_space<vmem>>, vector<2048x1xf32>,
    %get3A_79 = arith.constant 0 : index
    %get3A_80 = arith.constant 0 : index
    %get3A_81 = vector.load %arg5[%get3A_79, %get3A_80] : memref<1x128xf32, #tpu.memory_space<vmem>>, vector<1x1xf32>
    %mul3A_82 = arith.constant 4.8828125E-4 : f32
    %mul3A_83 = vector.broadcast %mul3A_82 : f32 to vector<1x1xf32>
    %mul3A_84 = arith.mulf %get3A_81, %mul3A_83 : vector<1x1xf32>
    %swap3A_85 = arith.constant 0 : index
    %swap3A_86 = arith.constant 0 : index
    %swap3A_87 = vector.load %arg15[%swap3A_85, %swap3A_86] : memref<1x1xf32, #tpu.memory_space<vmem>>, vector<1x1xf32>
    tpu.vector_store %arg15[%swap3A_85, %swap3A_86], %mul3A_84 {strides = array<i32>} : memref<1x1xf32, #tpu.memory_space<vmem>>, vector<1x1xf32>,
    return
  }
}

</mosaic_0001>

<sc_bundles>
// kernel: kernel.10.cloned.1.call-start
scs
__scs_entry_jumppad:
0x0: {  	(pc) =	sbr.rel $0x88, $3  }
0x1: {  	(tag) =	ssettag $0x0;
	lr =	simm.s32 $0x1  }
0x2: {  	[smem:$0x3F8B] =	sst lr;
	_ =	strace $0xD0000000  }
0x3: {  	_ = 	snop  }
0x4: {  	_ = 	snop  }
0x5: {  	_ = 	snop  }
0x6: {  	_ = 	snop  }
0x7: {  	_ = 	snop  }
__scs_overlays_trampoline_lowered:
0x8: {  	[smem:$0x3F9A] =	sst s0  }
0x9: {  	[smem:$0x3F9B] =	sst s1  }
0xa: {  	[smem:$0x3F9C] =	sst s2  }
0xb: {  	[smem:$0x3F9D] =	sst s3  }
0xc: {  	[smem:$0x3F9E] =	sst s4  }
0xd: {  	[smem:$0x3F9F] =	sst s5  }
0xe: {  	[smem:$0x3FA0] =	sst s6  }
0xf: {  	[smem:$0x3FA1] =	sst s7  }
0x10: {  	[smem:$0x3FA2] =	sst s8  }
0x11: {  	[smem:$0x3FA3] =	sst s9;
	s0 =	simm.s32 @!p0 $0x0  }
0x12: {  	s1 =	sld [smem:$0x3F89];
	s0 =	simm.s32 @p0 $0x1  }
0x13: {  	[smem:$0x3FA4] =	sst s0;
	s0 =	simm.s32 @!p1 $0x0  }
0x14: {  	s2 =	sld [smem:$0x3F88];
	s0 =	simm.s32 @p1 $0x1  }
0x15: {  	[smem:$0x3FA5] =	sst s0;
	s0 =	simm.s32 @!p2 $0x0  }
0x16: {  	s3 =	sld [smem:$0x3FDB];
	s0 =	simm.s32 @p2 $0x1  }
0x17: {  	s4 =	simm.s32 $0x1BF5;
	[smem:$0x3FA7] =	sst s0  }
0x18: {  	s0 =	sld [smem:$0x3F8A];
	_ =	swait.ge [sflag:s4], $0x0  }
0x19: {  	s7 =	sld [smem:$0x3F8B]  }
0x1a: {  	s8 =	sadd.s32 $0xFFFFE003, lr  }
0x1b: {  	s9 =	sadd.s32 $0xFFFFFEF7, lr;
	s5 =	simm.s32 $0xFFFFFFFF;
	p2 =	slt.u32 s8, $0xFFFFF086  }
0x1c: {  	p1 =	slt.u32 s9, $0xF7A;
	s5 =	simm.s32 @!p2 $0x0  }
0x1d: {  	s5 =	simm.s32 @p1 $0x1;
	p0 =	seq.s32 s7, s2  }
0x1e: {  	s7 =	smul.u32 @!p0 $0xF7A, s2;
	p2 =	seq.s32 @!p0 s5, $0x0  }
0x1f: {  	s9 =	smul.u32 $0xF7A, s1;
	s8 =	simm.s32 @!p0 $0x1BF5;
	p2 =	por !p2, p0  }
0x20: {  	[sflag:s8] =	ssyncset.s32 @!p0 $0xFFFFF086;
	s6 =	sadd.s32 @!p0 s3, s7;
	s7 =	simm.s32 @!p0 $0x108  }
0x21: {  	s3 =	sadd.s32 s3, s9;
	s6 =	sadd.s32 @!p0 $0x88, s6;
	s7 =	simm.s32 @p2 $0x1082  }
0x22: {  	[simem:s7], [sflag:s8] =	dma.local @!p0 [hbm:s6], $0xF7A  }
0x23: {  	s9 =	sor.u32 $0xD0000000, s2;
	s6 =	simm.s32 $0x108;
	_ =	swait.ge @!p0 [sflag:s8], $0x0  }
0x24: {  	s3 =	sadd.s32 $0x88, s3;
	s6 =	simm.s32 @!p1 $0x1082;
	[sflag:s4] =	ssyncset.s32 $0xFFFFF086  }
0x25: {  	[simem:s6], [sflag:s4] =	dma.local [hbm:s3], $0xF7A  }
0x26: {  	[smem:$0x3F8B] =	sst s1;
	(tag) =	ssettag s2;
	_ =	strace s9  }
0x27: {  	s1 =	sld [smem:$0x3F9B]  }
0x28: {  	s2 =	sld [smem:$0x3F9C]  }
0x29: {  	s4 =	sld [smem:$0x3F9E]  }
0x2a: {  	p0 =	seq.s32 s5, $0x0;
	s5 =	sld [smem:$0x3F9F]  }
0x2b: {  	s6 =	sld [smem:$0x3FA0]  }
0x2c: {  	s7 =	sld [smem:$0x3FA1]  }
0x2d: {  	s3 =	simm.s32 $0x108;
	s8 =	sld [smem:$0x3FA2]  }
0x2e: {  	s3 =	simm.s32 @!p0 $0x1082;
	s9 =	sld [smem:$0x3FA3]  }
0x2f: {  	lr =	sadd.s32 s0, s3;
	s0 =	sld [smem:$0x3F9A]  }
0x30: {  	s3 =	sld [smem:$0x3F9D]  }
0x31: {  	[smem:$0x3FA6] =	sst s10  }
0x32: {  	s10 =	sld [smem:$0x3FA4];
	_ =	sdelay $0x3  }
0x33: {  	p0 =	seq.s32 s10, $0x1;
	s10 =	sld [smem:$0x3FA6];
	_ =	sdelay $0x3  }
0x34: {  	[smem:$0x3FA6] =	sst s10  }
0x35: {  	s10 =	sld [smem:$0x3FA5];
	_ =	sdelay $0x3  }
0x36: {  	p1 =	seq.s32 s10, $0x1;
	s10 =	sld [smem:$0x3FA6];
	_ =	sdelay $0x3  }
0x37: {  	[smem:$0x3FA6] =	sst s10  }
0x38: {  	s10 =	sld [smem:$0x3FA7]  }
0x39: {  	_ = 	snop;
	(pc) =	sbr.ind lr, $3  }
0x3a: {  	_ = 	snop  }
0x3b: {  	_ = 	snop  }
0x3c: {  	p2 =	seq.s32 s10, $0x1;
	s10 =	sld [smem:$0x3FA6]  }
0x3d: {  	_ =	shalt  }
0x3e: {  	_ =	shalt  }
0x3f: {  	_ =	shalt  }
0x40: {  	_ =	shalt  }
0x41: {  	_ =	shalt  }
0x42: {  	_ =	shalt  }
0x43: {  	_ =	shalt  }
0x44: {  	_ =	shalt  }
0x45: {  	_ =	shalt  }
0x46: {  	_ =	shalt  }
0x47: {  	_ =	shalt  }
0x48: {  	_ =	shalt  }
0x49: {  	_ =	shalt  }
0x4a: {  	_ =	shalt  }
0x4b: {  	_ =	shalt  }
0x4c: {  	_ =	shalt  }
0x4d: {  	_ =	shalt  }
0x4e: {  	_ =	shalt  }
0x4f: {  	_ =	shalt  }
0x50: {  	_ =	shalt  }
0x51: {  	_ =	shalt  }
0x52: {  	_ =	shalt  }
0x53: {  	_ =	shalt  }
0x54: {  	_ =	shalt  }
0x55: {  	_ =	shalt  }
0x56: {  	_ =	shalt  }
0x57: {  	_ =	shalt  }
0x58: {  	_ =	shalt  }
0x59: {  	_ =	shalt  }
0x5a: {  	_ =	shalt  }
0x5b: {  	_ =	shalt  }
0x5c: {  	_ =	shalt  }
0x5d: {  	_ =	shalt  }
0x5e: {  	_ =	shalt  }
0x5f: {  	_ =	shalt  }
0x60: {  	_ =	shalt  }
0x61: {  	_ =	shalt  }
0x62: {  	_ =	shalt  }
0x63: {  	_ =	shalt  }
0x64: {  	_ =	shalt  }
0x65: {  	_ =	shalt  }
0x66: {  	_ =	shalt  }
0x67: {  	_ =	shalt  }
0x68: {  	_ =	shalt  }
0x69: {  	_ =	shalt  }
0x6a: {  	_ =	shalt  }
0x6b: {  	_ =	shalt  }
0x6c: {  	_ =	shalt  }
0x6d: {  	_ =	shalt  }
0x6e: {  	_ =	shalt  }
0x6f: {  	_ =	shalt  }
0x70: {  	_ =	shalt  }
0x71: {  	_ =	shalt  }
0x72: {  	_ =	shalt  }
0x73: {  	_ =	shalt  }
0x74: {  	_ =	shalt  }
0x75: {  	_ =	shalt  }
0x76: {  	_ =	shalt  }
0x77: {  	_ =	shalt  }
0x78: {  	_ =	shalt  }
0x79: {  	_ =	shalt  }
0x7a: {  	_ =	shalt  }
0x7b: {  	_ =	shalt  }
0x7c: {  	_ =	shalt  }
0x7d: {  	_ =	shalt  }
0x7e: {  	_ =	shalt  }
0x7f: {  	_ =	shalt  }
0x80: {  	_ =	shalt  }
0x81: {  	_ =	shalt  }
0x82: {  	_ =	shalt  }
0x83: {  	_ =	shalt  }
0x84: {  	_ =	shalt  }
0x85: {  	_ =	shalt  }
0x86: {  	_ =	shalt  }
0x87: {  	_ =	shalt  }
.Lfunc_end0:
.L_simem_size_0:
called_computation_lowered:
.L_overlay_start_0:
0x88: {  	s2 =	sld [smem:$0x3FD9]  }
0x89: {  	s3 =	sld [smem:$0x3FFE];
	_ =	sdelay $0x1  }
0x8a: {  	s1 =	srdreg.scid  }
0x8b: {  	s0 =	sand.u32 $0x1, s1  }
0x8c: {  	s17 =	sshll.u32 s0, $0xA;
	s2 =	sadd.s32 s3, s2  }
0x8d: {  	s2 =	sadd.s32 s2, s17  }
0x8e: {  	[smem:$0x3FB2] =	sst s2  }
0x8f: {  	_ = 	snop  }
0x90: {  	(tm) =	ssettm $0x1  }
0x91: {  	s18 =	sld [smem:$0x3FFB];
	_ =	sdelay $0x3  }
0x92: {  	_ =	strace s18  }
0x93: {  	s2 =	sld [smem:$0x3FFC];
	_ =	sdelay $0x3  }
0x94: {  	_ =	strace s2  }
0x95: {  	s2 =	sld [smem:$0x3FFD];
	_ =	sdelay $0x3  }
0x96: {  	_ =	strace s2  }
0x97: {  	_ =	strace $0x8FFFFFFF  }
0x98: {  	s19 =	sld [smem:$0x3FDB];
	_ =	sdelay $0x1  }
0x99: {  	s20 =	simm.s32 $_scs_section_size  }
0x9a: {  	s4 =	simm.s32 $_size__tile_overlayer_lowered;
	s5 =	simm.s32 $_tile_overlayer_lowered  }
0x9b: {  	s6 =	simm.s32 $0x1BFF;
	s21 =	sshll.u32 s5, $0x1;
	s3 =	sadd.s32 s20, s19  }
0x9c: {  	s22 =	simm.s32 $0x0;
	s4 =	sshll.u32 s4, $0x1;
	s5 =	sadd.s32 s21, s3  }
0x9d: {  	[timem:s22], [sflag:s6] =	dma.local [hbm:s5], s4  }
0x9e: {  	_ =	swait.ge [sflag:s6], s4  }
0x9f: {  	s4 =	ssub.s32 $0x0, s4;
	[sflag:s6] =	ssyncset.done $0x0  }
0xa0: {  	[sflag:s6] =	ssyncadd.s32 s4;
	_ =	sdelay $0x1  }
0xa1: {  	s23 =	simm.s32 $0x1B8B  }
0xa2: {  	_ =	swait.ge [sflag:s23], $0x1  }
0xa3: {  	[sflag:s23] =	ssyncset.done $0x0  }
0xa4: {  	[sflag:s23] =	ssyncadd.s32 $0xFFFFFFFF  }
0xa5: {  	s4 =	sld [smem:$0x0]  }
0xa6: {  	s5 =	sand.u32 $0xFFFFFFFE, s1  }
0xa7: {  	p0 =	sne.s32 s1, s5  }
0xa8: {  	s5 =	sshll.u32 @p0 s5, $0xE  }
0xa9: {  	s5 =	sadd.s32 @p0 $0x11B8D, s5;
	s6 =	sshll.u32 @p0 s4, $0x11  }
0xaa: {  	s5 =	sor.u32 @p0 s6, s5  }
0xab: {  	[sflag:s5] =	ssyncadd.remote.s32 @p0 $0x1;
	_ =	sdelay $0x1  }
0xac: {  	s5 =	simm.s32 @p0 $0x1B8D  }
0xad: {  	_ =	swait.eq @p0 [sflag:s5], $0x1  }
0xae: {  	[sflag:s5] =	ssyncadd.s32 @p0 $0xFFFFFFFF  }
0xaf: {  	s6 =	sshll.u32 @!p0 s1, $0xE  }
0xb0: {  	s6 =	sor.u32 @!p0 $0x4000, s6;
	s5 =	simm.s32 @!p0 $0x1B8D  }
0xb1: {  	s4 =	sshll.u32 @!p0 s4, $0x11;
	s6 =	sadd.s32 @!p0 $0x11B8D, s6;
	_ =	swait.eq @!p0 [sflag:s5], $0x1  }
0xb2: {  	s4 =	sor.u32 @!p0 s4, s6;
	[sflag:s5] =	ssyncadd.s32 @!p0 $0xFFFFFFFF  }
0xb3: {  	s25 =	simm.s32 $0x1B8E;
	s24 =	sld [smem:$0x3FFE];
	[sflag:s4] =	ssyncadd.remote.s32 @!p0 $0x1  }
0xb4: {  	s26 =	simm.s32 $execute0_lowered;
	[smem:$0x3FD2] =	sst s25  }
0xb5: {  	s5 =	sshll.u32 s26, $0x1;
	_ =	strace $0x80000049;
	[dreg:$0x1] =	wrdreg $0xFFFFFFFF  }
0xb6: {  	s28 =	simm.s32 $_size_execute0_lowered;
	s3 =	sadd.s32 s3, s5;
	[dreg:$0x0] =	wrdreg $0x0  }
0xb7: {  	s5 =	sshll.u32 s28, $0x1;
	[dreg:$0x2] =	wrdreg s3  }
0xb8: {  	[dreg:$0x3] =	wrdreg s5  }
0xb9: {  	[dreg:$0x4] =	wrdreg $0xC0  }
0xba: {  	_ =	task [dreg:s22], $0x5FFFF  }
0xbb: {  	[dreg:$0x1] =	wrdreg $0xFFFFFFFF  }
0xbc: {  	[dreg:$0x0] =	wrdreg $0x60  }
0xbd: {  	[dreg:$0x2] =	wrdreg s24  }
0xbe: {  	[dreg:$0x3] =	wrdreg $0x24800  }
0xbf: {  	[dreg:$0x4] =	wrdreg $0x9  }
0xc0: {  	_ =	task.clear_ibuf [dreg:s22], $0x5FFFF;
	_ =	strace $0x90000049  }
0xc1: {  	s29 =	simm.s32 $0x9;
	_ =	strace $0x8000004B  }
0xc2: {  	_ =	swait.ge [sflag:s29], $0x1  }
0xc3: {  	[sflag:s29] =	ssyncadd.s32 $0xFFFFFFFF  }
0xc4: {  	_ =	strace $0x9000004B  }
0xc5: {  	_ =	sfence  }
0xc6: {  	s30 =	sld [smem:$0x0];
	_ =	sdelay $0x2  }
0xc7: {  	s31 =	sshll.u32 s1, $0xD;
	s1 =	sshrl.u32 s1, $0x2  }
0xc8: {  	s4 =	sand.u32 $0x4000, s31;
	s1 =	sadd.s32 s1, s30  }
0xc9: {  	s0 =	sor.u32 s4, s0;
	s1 =	sshll.u32 s1, $0x11  }
0xca: {  	s0 =	sor.u32 s1, s0  }
0xcb: {  	s0 =	sadd.s32 $0x8F2B, s0  }
0xcc: {  	[sflag:s0] =	ssyncadd.remote.s32 $0x1  }
0xcd: {  	_ =	sfence.sel $0xFFFF  }
0xce: {  	[dreg:$0x0] =	wrdreg $0xFFFFFFFF;
	(pc) =	sbr.abs _section_cstart, $3  }
0xcf: {  	[dreg:$0x1] =	wrdreg $0xFFFFFFFF  }
0xd0: {  	_ =	task.clear_ibuf [dreg:s22], $0x2FFFF;
	_ =	strace $0x9FFFFFFF  }
0xd1: {  	(tm) =	ssettm $0x7FFFFFFF  }
tec
execute0_lowered:
.L_overlay_start_1:
0x0: {  	(tag) =	ssettag $0x1  }
0x1: {  	s4 =	rddreg [dreg:$0x0]  }
0x2: {  	s1 =	rddreg [dreg:$0x1]  }
0x3: {  	s0 =	rddreg [dreg:$0x2]  }
0x4: {  	s3 =	simm.s32 $0x0;
	s5 =	srdreg.scid;
	s2 =	stileid.u32  }
0x5: {  	[smem:$0x7FF] =	sst s3;
	s24 =	smul.u32 $0x900, s2  }
0x6: {  	s7 =	sand.u32 $0x1, s5;
	s6 =	sshll.u32 s2, $0x7;
	s9 =	smul.u32 $0x2400, s2  }
0x7: {  	s26 =	sshll.u32 s2, $0x5;
	s8 =	sshll.u32 s7, $0xB;
	_ =	strace $0x8000004A  }
0x8: {  	s10 =	sadd.s32 s26, s4;
	s11 =	ssub.s32 $0x2, s7;
	s13 =	smul.u32 $0x480, s7  }
0x9: {  	s30 =	sshll.u32 s7, $0x4;
	s6 =	sor.u32 s6, s8;
	s25 =	sadd.s32 s24, s4  }
0xa: {  	s28 =	sshrl.u32 s9, $0x3;
	s29 =	sshrl.u32 s11, $0x1;
	s6 =	smul.u32 $0x9, s6  }
0xb: {  	s5 =	sadd.s32 s28, s4;
	s11 =	ssub.s32 s11, s29;
	s31 =	sadd.s32 s13, s25  }
0xc: {  	s13 =	simm.s32 $0x0;
	s5 =	sadd.s32 $0x26C000, s5;
	s8 =	smax.u32 s11, $0x1  }
0xd: {  	s11 =	simm.s32 $0x80;
	s12 =	sadd.s32 s6, s4;
	s4 =	sshll.u32 s2, $0x1  }
0xe: {  	s6 =	sadd.s32 s9, s1;
	s9 =	sadd.s32 s30, s10;
	s10 =	sadd.s32 $0x18F800, s31  }
0xf: {  	s7 =	sadd.s32 $0x270800, s12;
	s9 =	sadd.s32 $0x18AE00, s9;
	s12 =	simm.s32 $0x1  }
.LBB2_1:
0x10: {  	[tilespmem:s11], [sflag:$0x1] =	stream.linear.gather [hbm4b:s5+s3], $0x2400, $0x38;
	[tilespmem:$0x4880] =	vst v63  }
0x11: {  	_ =	swait.ge [sflag:s12], $0x2400  }
0x12: {  	[sflag:s12] =	ssyncset.done $0x0  }
0x13: {  	[sflag:s12] =	ssyncadd.s32 $0xFFFFDC00  }
0x14: {  	[spmem:s6] =	stream.linear.scatter [tilespmem:s11], [sflag:$0x1], $0x2400, $0x38;
	[tilespmem:$0x4880] =	vst v63  }
0x15: {  	_ =	swait.ge [sflag:s12], $0x2400  }
0x16: {  	s14 =	sadd.s32 $0x0, s4;
	[sflag:s12] =	ssyncset.done $0x0  }
0x17: {  	p0 =	sgt.u32 s14, $0x30F;
	[sflag:s12] =	ssyncadd.s32 $0xFFFFDC00  }
0x18: {  	s14 =	simm.s32 @!p0 $0x0;
	s16 =	simm.s32 @!p0 $0x2;
	[bflag:$0x0] =	sbarrier.arrive $0xFFFF  }
0x19: {  	[tilespmem:s14], [sflag:$0x2] =	stream.linear.gather @!p0 [hbm4b:s9+s14], $0x80, $0x38;
	[tilespmem:$0x4880] =	vst v63  }
0x1a: {  	_ =	swait.ge @!p0 [sflag:s16], $0x80  }
0x1b: {  	[sflag:s16] =	ssyncset.done @!p0 $0x0;
	p0 =	por p0, p0  }
0x1c: {  	[sflag:s16] =	ssyncadd.s32 @!p0 $0xFFFFFF80;
	s18 =	simm.s32 @!p0 $0x80  }
0x1d: {  	[tilespmem:s18], [sflag:$0x2] =	stream.linear.gather @!p0 [hbm4b:s10+s14], $0x2400, $0x38;
	[tilespmem:$0x4880] =	vst v63  }
0x1e: {  	_ =	swait.ge @!p0 [sflag:s16], $0x2400  }
0x1f: {  	[sflag:s16] =	ssyncset.done @!p0 $0x0  }
0x20: {  	s31 =	sadd.s32 $0x20, s4;
	s17 =	simm.s32 @!p0 $0x1;
	[sflag:s16] =	ssyncadd.s32 @!p0 $0xFFFFDC00  }
0x21: {  	[spmem:s1] =	stream.indirect.scatter.add.f32 @!p0 [tilespmem:s18], [sflag:$0x1], $0x48, s14, s18, $0xb8;
	[tilespmem:$0x4880] =	vst v63  }
0x22: {  	s15 =	simm.s32 $0x40;
	p1 =	sgt.u32 s31, $0x30F;
	_ =	swait.ge @!p0 [sflag:s17], $0x2400  }
0x23: {  	s16 =	sadd.s32 $0x200, s9;
	s14 =	sadd.s32 $0x9000, s10;
	[sflag:s17] =	ssyncset.done @!p0 $0x0  }
.LBB2_2:
0x24: {  	s18 =	simm.s32 @!p1 $0x0;
	s19 =	simm.s32 @!p1 $0x2;
	[sflag:s17] =	ssyncadd.s32 @!p0 $0xFFFFDC00  }
0x25: {  	[tilespmem:s18], [sflag:$0x2] =	stream.linear.gather @!p1 [hbm4b:s16+s18], $0x80, $0x38;
	[tilespmem:$0x4880] =	vst v63  }
0x26: {  	s20 =	smov.u32 s15;
	s15 =	sadd.s32 $0x20, s15;
	_ =	swait.ge @!p1 [sflag:s19], $0x80  }
0x27: {  	p0 =	por p1, p1;
	p2 =	sne.s32 s15, $0x320;
	[sflag:s19] =	ssyncset.done @!p1 $0x0  }
0x28: {  	s21 =	simm.s32 @!p0 $0x80;
	[sflag:s19] =	ssyncadd.s32 @!p0 $0xFFFFFF80  }
0x29: {  	[tilespmem:s21], [sflag:$0x2] =	stream.linear.gather @!p0 [hbm4b:s14+s18], $0x2400, $0x38;
	[tilespmem:$0x4880] =	vst v63  }
0x2a: {  	_ =	swait.ge @!p0 [sflag:s19], $0x2400  }
.Ltmp0:
0x2b: {  	[sflag:s19] =	ssyncset.done @!p0 $0x0;
	(pc) =	sbr.rel @p2 .LBB2_2-.Ltmp0, $4  }
0x2c: {  	s17 =	simm.s32 @!p0 $0x1;
	[sflag:s19] =	ssyncadd.s32 @!p0 $0xFFFFDC00  }
0x2d: {  	[spmem:s1] =	stream.indirect.scatter.add.f32 @!p0 [tilespmem:s21], [sflag:$0x1], $0x48, s18, s21, $0xb8;
	[tilespmem:$0x4880] =	vst v63  }
0x2e: {  	s14 =	sadd.s32 $0x9000, s14;
	s18 =	sadd.s32 s20, s4;
	_ =	swait.ge @!p0 [sflag:s17], $0x2400  }
0x2f: {  	s16 =	sadd.s32 $0x200, s16;
	p1 =	sgt.u32 s18, $0x30F;
	[sflag:s17] =	ssyncset.done @!p0 $0x0  }
0x30: {  	s15 =	simm.s32 @!p1 $0x0;
	s18 =	simm.s32 @!p1 $0x2;
	[sflag:s17] =	ssyncadd.s32 @!p0 $0xFFFFDC00  }
0x31: {  	[tilespmem:s15], [sflag:$0x2] =	stream.linear.gather @!p1 [hbm4b:s16+s15], $0x80, $0x38;
	[tilespmem:$0x4880] =	vst v63  }
0x32: {  	_ =	swait.ge @!p1 [sflag:s18], $0x80  }
0x33: {  	p0 =	por p1, p1;
	[sflag:s18] =	ssyncset.done @!p1 $0x0  }
0x34: {  	s16 =	simm.s32 @!p0 $0x80;
	[sflag:s18] =	ssyncadd.s32 @!p0 $0xFFFFFF80  }
0x35: {  	[tilespmem:s16], [sflag:$0x2] =	stream.linear.gather @!p0 [hbm4b:s14+s15], $0x2400, $0x38;
	[tilespmem:$0x4880] =	vst v63  }
0x36: {  	_ =	swait.ge @!p0 [sflag:s18], $0x2400  }
0x37: {  	[sflag:s18] =	ssyncset.done @!p0 $0x0  }
0x38: {  	s14 =	simm.s32 @!p0 $0x1;
	[sflag:s18] =	ssyncadd.s32 @!p0 $0xFFFFDC00  }
0x39: {  	[spmem:s1] =	stream.indirect.scatter.add.f32 @!p0 [tilespmem:s16], [sflag:$0x1], $0x48, s15, s16, $0xb8;
	[tilespmem:$0x4880] =	vst v63  }
0x3a: {  	_ =	swait.ge @!p0 [sflag:s14], $0x2400  }
0x3b: {  	[sflag:s14] =	ssyncset.done @!p0 $0x0  }
0x3c: {  	[sflag:s14] =	ssyncadd.s32 @!p0 $0xFFFFDC00  }
0x3d: {  	[bflag:$0x0] =	sbarrier.arrive $0xFFFF  }
0x3e: {  	[tilespmem:s11], [sflag:$0x1] =	stream.linear.gather [spmem:s6], $0x2400, $0x38;
	[tilespmem:$0x4880] =	vst v63  }
0x3f: {  	s13 =	sadd.s32 $0x1, s13;
	_ =	swait.ge [sflag:s12], $0x2400  }
0x40: {  	p0 =	sne.s32 s13, s8;
	[sflag:s12] =	ssyncset.done $0x0  }
.Ltmp1:
0x41: {  	[sflag:s12] =	ssyncadd.s32 $0xFFFFDC00;
	(pc) =	sbr.rel @p0 .LBB2_1-.Ltmp1, $4  }
0x42: {  	[hbm4b:s7+s3] =	stream.linear.scatter [tilespmem:s11], [sflag:$0x1], $0x2400, $0x38;
	[tilespmem:$0x4880] =	vst v63  }
0x43: {  	_ =	swait.ge [sflag:s12], $0x2400  }
0x44: {  	[sflag:s12] =	ssyncset.done $0x0  }
0x45: {  	[sflag:s12] =	ssyncadd.s32 $0xFFFFDC00  }
0x46: {  	_ =	sfence.sel $0x180000  }
0x47: {  	[bflag:$0x0] =	sbarrier.arrive $0xFFFF  }
0x48: {  	p0 =	sne.s32 s2, $0x0;
	_ =	strace $0x9000004A  }
0x49: {  	s0 =	sadd.s32 @!p0 $0x100000, s0;
	[bflag:$0x2] =	sbarrier.arrive $0xFFFF  }
0x4a: {  	[sflag:s0] =	ssyncadd.tile.s32 @!p0 $0x1;
	_ =	shalt  }
.Lfunc_end2:
_tile_overlayer_lowered:
.L_overlay_start_2:
0x4b: {  	(tag) =	ssettag $0x2  }
0x4c: {  	s0 =	rddreg [dreg:$0x0];
	s2 =	stileid.u32  }
0x4d: {  	s1 =	rddreg [dreg:$0x1];
	p0 =	sne.s32 s2, $0x0  }
0x4e: {  	s3 =	rddreg [dreg:$0x2];
	[bflag:$0x3] =	sbarrier.arrive $0xFFFF;
	s2 =	simm.s32 @!p0 $0x1C01  }
0x4f: {  	[timem:s3], [sflag:s2] =	dma.local @!p0 [hbm:s0], s1  }
0x50: {  	s0 =	simm.s32 @!p0 $0x1  }
0x51: {  	_ =	swait.ge @!p0 [sflag:s0], s1  }
0x52: {  	s1 =	ssub.s32 @!p0 $0x0, s1;
	[sflag:s0] =	ssyncset.done @!p0 $0x0  }
0x53: {  	[sflag:s0] =	ssyncadd.s32 @!p0 s1  }
0x54: {  	[bflag:$0x3] =	sbarrier.arrive $0xFFFF  }
0x55: {  	_ =	shalt  }

// kernel: kernel.13.cloned.1.call-start
scs
__scs_entry_jumppad:
0x0: {  	(pc) =	sbr.rel $0x88, $3  }
0x1: {  	(tag) =	ssettag $0x0;
	lr =	simm.s32 $0x1  }
0x2: {  	[smem:$0x3F8B] =	sst lr;
	_ =	strace $0xD0000000  }
0x3: {  	_ = 	snop  }
0x4: {  	_ = 	snop  }
0x5: {  	_ = 	snop  }
0x6: {  	_ = 	snop  }
0x7: {  	_ = 	snop  }
__scs_overlays_trampoline_lowered:
0x8: {  	[smem:$0x3F9A] =	sst s0  }
0x9: {  	[smem:$0x3F9B] =	sst s1  }
0xa: {  	[smem:$0x3F9C] =	sst s2  }
0xb: {  	[smem:$0x3F9D] =	sst s3  }
0xc: {  	[smem:$0x3F9E] =	sst s4  }
0xd: {  	[smem:$0x3F9F] =	sst s5  }
0xe: {  	[smem:$0x3FA0] =	sst s6  }
0xf: {  	[smem:$0x3FA1] =	sst s7  }
0x10: {  	[smem:$0x3FA2] =	sst s8  }
0x11: {  	[smem:$0x3FA3] =	sst s9;
	s0 =	simm.s32 @!p0 $0x0  }
0x12: {  	s1 =	sld [smem:$0x3F89];
	s0 =	simm.s32 @p0 $0x1  }
0x13: {  	[smem:$0x3FA4] =	sst s0;
	s0 =	simm.s32 @!p1 $0x0  }
0x14: {  	s2 =	sld [smem:$0x3F88];
	s0 =	simm.s32 @p1 $0x1  }
0x15: {  	[smem:$0x3FA5] =	sst s0;
	s0 =	simm.s32 @!p2 $0x0  }
0x16: {  	s3 =	sld [smem:$0x3FDB];
	s0 =	simm.s32 @p2 $0x1  }
0x17: {  	s4 =	simm.s32 $0x1BF5;
	[smem:$0x3FA7] =	sst s0  }
0x18: {  	s0 =	sld [smem:$0x3F8A];
	_ =	swait.ge [sflag:s4], $0x0  }
0x19: {  	s7 =	sld [smem:$0x3F8B]  }
0x1a: {  	s8 =	sadd.s32 $0xFFFFE003, lr  }
0x1b: {  	s9 =	sadd.s32 $0xFFFFFEF7, lr;
	s5 =	simm.s32 $0xFFFFFFFF;
	p2 =	slt.u32 s8, $0xFFFFF086  }
0x1c: {  	p1 =	slt.u32 s9, $0xF7A;
	s5 =	simm.s32 @!p2 $0x0  }
0x1d: {  	s5 =	simm.s32 @p1 $0x1;
	p0 =	seq.s32 s7, s2  }
0x1e: {  	s7 =	smul.u32 @!p0 $0xF7A, s2;
	p2 =	seq.s32 @!p0 s5, $0x0  }
0x1f: {  	s9 =	smul.u32 $0xF7A, s1;
	s8 =	simm.s32 @!p0 $0x1BF5;
	p2 =	por !p2, p0  }
0x20: {  	[sflag:s8] =	ssyncset.s32 @!p0 $0xFFFFF086;
	s6 =	sadd.s32 @!p0 s3, s7;
	s7 =	simm.s32 @!p0 $0x108  }
0x21: {  	s3 =	sadd.s32 s3, s9;
	s6 =	sadd.s32 @!p0 $0x88, s6;
	s7 =	simm.s32 @p2 $0x1082  }
0x22: {  	[simem:s7], [sflag:s8] =	dma.local @!p0 [hbm:s6], $0xF7A  }
0x23: {  	s9 =	sor.u32 $0xD0000000, s2;
	s6 =	simm.s32 $0x108;
	_ =	swait.ge @!p0 [sflag:s8], $0x0  }
0x24: {  	s3 =	sadd.s32 $0x88, s3;
	s6 =	simm.s32 @!p1 $0x1082;
	[sflag:s4] =	ssyncset.s32 $0xFFFFF086  }
0x25: {  	[simem:s6], [sflag:s4] =	dma.local [hbm:s3], $0xF7A  }
0x26: {  	[smem:$0x3F8B] =	sst s1;
	(tag) =	ssettag s2;
	_ =	strace s9  }
0x27: {  	s1 =	sld [smem:$0x3F9B]  }
0x28: {  	s2 =	sld [smem:$0x3F9C]  }
0x29: {  	s4 =	sld [smem:$0x3F9E]  }
0x2a: {  	p0 =	seq.s32 s5, $0x0;
	s5 =	sld [smem:$0x3F9F]  }
0x2b: {  	s6 =	sld [smem:$0x3FA0]  }
0x2c: {  	s7 =	sld [smem:$0x3FA1]  }
0x2d: {  	s3 =	simm.s32 $0x108;
	s8 =	sld [smem:$0x3FA2]  }
0x2e: {  	s3 =	simm.s32 @!p0 $0x1082;
	s9 =	sld [smem:$0x3FA3]  }
0x2f: {  	lr =	sadd.s32 s0, s3;
	s0 =	sld [smem:$0x3F9A]  }
0x30: {  	s3 =	sld [smem:$0x3F9D]  }
0x31: {  	[smem:$0x3FA6] =	sst s10  }
0x32: {  	s10 =	sld [smem:$0x3FA4];
	_ =	sdelay $0x3  }
0x33: {  	p0 =	seq.s32 s10, $0x1;
	s10 =	sld [smem:$0x3FA6];
	_ =	sdelay $0x3  }
0x34: {  	[smem:$0x3FA6] =	sst s10  }
0x35: {  	s10 =	sld [smem:$0x3FA5];
	_ =	sdelay $0x3  }
0x36: {  	p1 =	seq.s32 s10, $0x1;
	s10 =	sld [smem:$0x3FA6];
	_ =	sdelay $0x3  }
0x37: {  	[smem:$0x3FA6] =	sst s10  }
0x38: {  	s10 =	sld [smem:$0x3FA7]  }
0x39: {  	_ = 	snop;
	(pc) =	sbr.ind lr, $3  }
0x3a: {  	_ = 	snop  }
0x3b: {  	_ = 	snop  }
0x3c: {  	p2 =	seq.s32 s10, $0x1;
	s10 =	sld [smem:$0x3FA6]  }
0x3d: {  	_ =	shalt  }
0x3e: {  	_ =	shalt  }
0x3f: {  	_ =	shalt  }
0x40: {  	_ =	shalt  }
0x41: {  	_ =	shalt  }
0x42: {  	_ =	shalt  }
0x43: {  	_ =	shalt  }
0x44: {  	_ =	shalt  }
0x45: {  	_ =	shalt  }
0x46: {  	_ =	shalt  }
0x47: {  	_ =	shalt  }
0x48: {  	_ =	shalt  }
0x49: {  	_ =	shalt  }
0x4a: {  	_ =	shalt  }
0x4b: {  	_ =	shalt  }
0x4c: {  	_ =	shalt  }
0x4d: {  	_ =	shalt  }
0x4e: {  	_ =	shalt  }
0x4f: {  	_ =	shalt  }
0x50: {  	_ =	shalt  }
0x51: {  	_ =	shalt  }
0x52: {  	_ =	shalt  }
0x53: {  	_ =	shalt  }
0x54: {  	_ =	shalt  }
0x55: {  	_ =	shalt  }
0x56: {  	_ =	shalt  }
0x57: {  	_ =	shalt  }
0x58: {  	_ =	shalt  }
0x59: {  	_ =	shalt  }
0x5a: {  	_ =	shalt  }
0x5b: {  	_ =	shalt  }
0x5c: {  	_ =	shalt  }
0x5d: {  	_ =	shalt  }
0x5e: {  	_ =	shalt  }
0x5f: {  	_ =	shalt  }
0x60: {  	_ =	shalt  }
0x61: {  	_ =	shalt  }
0x62: {  	_ =	shalt  }
0x63: {  	_ =	shalt  }
0x64: {  	_ =	shalt  }
0x65: {  	_ =	shalt  }
0x66: {  	_ =	shalt  }
0x67: {  	_ =	shalt  }
0x68: {  	_ =	shalt  }
0x69: {  	_ =	shalt  }
0x6a: {  	_ =	shalt  }
0x6b: {  	_ =	shalt  }
0x6c: {  	_ =	shalt  }
0x6d: {  	_ =	shalt  }
0x6e: {  	_ =	shalt  }
0x6f: {  	_ =	shalt  }
0x70: {  	_ =	shalt  }
0x71: {  	_ =	shalt  }
0x72: {  	_ =	shalt  }
0x73: {  	_ =	shalt  }
0x74: {  	_ =	shalt  }
0x75: {  	_ =	shalt  }
0x76: {  	_ =	shalt  }
0x77: {  	_ =	shalt  }
0x78: {  	_ =	shalt  }
0x79: {  	_ =	shalt  }
0x7a: {  	_ =	shalt  }
0x7b: {  	_ =	shalt  }
0x7c: {  	_ =	shalt  }
0x7d: {  	_ =	shalt  }
0x7e: {  	_ =	shalt  }
0x7f: {  	_ =	shalt  }
0x80: {  	_ =	shalt  }
0x81: {  	_ =	shalt  }
0x82: {  	_ =	shalt  }
0x83: {  	_ =	shalt  }
0x84: {  	_ =	shalt  }
0x85: {  	_ =	shalt  }
0x86: {  	_ =	shalt  }
0x87: {  	_ =	shalt  }
.Lfunc_end0:
.L_simem_size_0:
called_computation.1_lowered:
.L_overlay_start_0:
0x88: {  	s2 =	sld [smem:$0x3FD9]  }
0x89: {  	s3 =	sld [smem:$0x3FFE];
	_ =	sdelay $0x1  }
0x8a: {  	s1 =	srdreg.scid  }
0x8b: {  	s0 =	sand.u32 $0x1, s1  }
0x8c: {  	s16 =	sshll.u32 s0, $0xA;
	s2 =	sadd.s32 s3, s2  }
0x8d: {  	s2 =	sadd.s32 s2, s16  }
0x8e: {  	[smem:$0x3FB2] =	sst s2  }
0x8f: {  	_ = 	snop  }
0x90: {  	(tm) =	ssettm $0x1  }
0x91: {  	s17 =	sld [smem:$0x3FFB];
	_ =	sdelay $0x3  }
0x92: {  	_ =	strace s17  }
0x93: {  	s2 =	sld [smem:$0x3FFC];
	_ =	sdelay $0x3  }
0x94: {  	_ =	strace s2  }
0x95: {  	s2 =	sld [smem:$0x3FFD];
	_ =	sdelay $0x3  }
0x96: {  	_ =	strace s2  }
0x97: {  	_ =	strace $0x8FFFFFFF  }
0x98: {  	s18 =	sld [smem:$0x3FDB];
	_ =	sdelay $0x1  }
0x99: {  	s19 =	simm.s32 $_scs_section_size  }
0x9a: {  	s4 =	simm.s32 $_size__tile_overlayer_lowered;
	s5 =	simm.s32 $_tile_overlayer_lowered  }
0x9b: {  	s22 =	simm.s32 $0x1BFF;
	s21 =	sshll.u32 s5, $0x1;
	s2 =	sadd.s32 s19, s18  }
0x9c: {  	s6 =	simm.s32 $0x0;
	s20 =	sshll.u32 s4, $0x1;
	s4 =	sadd.s32 s21, s2  }
0x9d: {  	[timem:s6], [sflag:s22] =	dma.local [hbm:s4], s20  }
0x9e: {  	_ =	swait.ge [sflag:s22], s20  }
0x9f: {  	s3 =	ssub.s32 $0x0, s20;
	[sflag:s22] =	ssyncset.done $0x0  }
0xa0: {  	[sflag:s22] =	ssyncadd.s32 s3;
	_ =	sdelay $0x1  }
0xa1: {  	s23 =	simm.s32 $0x1B8B  }
0xa2: {  	_ =	swait.ge [sflag:s23], $0x1  }
0xa3: {  	[sflag:s23] =	ssyncset.done $0x0  }
0xa4: {  	s25 =	simm.s32 $0x1B8E;
	s24 =	sld [smem:$0x3FFE];
	[sflag:s23] =	ssyncadd.s32 $0xFFFFFFFF  }
0xa5: {  	s26 =	simm.s32 $execute0_lowered;
	[smem:$0x3FD2] =	sst s25  }
0xa6: {  	s4 =	sshll.u32 s26, $0x1;
	_ =	strace $0x80000046;
	[dreg:$0x1] =	wrdreg $0xFFFFFFFF  }
0xa7: {  	s28 =	simm.s32 $_size_execute0_lowered;
	s2 =	sadd.s32 s2, s4;
	[dreg:$0x0] =	wrdreg $0x0  }
0xa8: {  	s4 =	sshll.u32 s28, $0x1;
	[dreg:$0x2] =	wrdreg s2  }
0xa9: {  	[dreg:$0x3] =	wrdreg s4  }
0xaa: {  	[dreg:$0x4] =	wrdreg $0xC0  }
0xab: {  	_ =	task [dreg:s6], $0x5FFFF  }
0xac: {  	[dreg:$0x1] =	wrdreg $0xFFFFFFFF  }
0xad: {  	[dreg:$0x0] =	wrdreg $0x60  }
0xae: {  	[dreg:$0x2] =	wrdreg s24  }
0xaf: {  	[dreg:$0x3] =	wrdreg $0x4800  }
0xb0: {  	[dreg:$0x4] =	wrdreg $0xA  }
0xb1: {  	_ =	task.clear_ibuf [dreg:s6], $0x5FFFF;
	_ =	strace $0x90000046  }
0xb2: {  	s29 =	simm.s32 $0xA;
	_ =	strace $0x80000048  }
0xb3: {  	_ =	swait.ge [sflag:s29], $0x1  }
0xb4: {  	[sflag:s29] =	ssyncadd.s32 $0xFFFFFFFF  }
0xb5: {  	_ =	strace $0x90000048  }
0xb6: {  	_ =	sfence  }
0xb7: {  	s30 =	sld [smem:$0x0];
	_ =	sdelay $0x2  }
0xb8: {  	s31 =	sshll.u32 s1, $0xD;
	s1 =	sshrl.u32 s1, $0x2  }
0xb9: {  	s3 =	sand.u32 $0x4000, s31;
	s1 =	sadd.s32 s1, s30  }
0xba: {  	s0 =	sor.u32 s3, s0;
	s1 =	sshll.u32 s1, $0x11  }
0xbb: {  	s0 =	sor.u32 s1, s0  }
0xbc: {  	s0 =	sadd.s32 $0x8F2B, s0  }
0xbd: {  	[sflag:s0] =	ssyncadd.remote.s32 $0x1  }
0xbe: {  	_ =	sfence.sel $0xFFFF  }
0xbf: {  	[dreg:$0x0] =	wrdreg $0xFFFFFFFF;
	(pc) =	sbr.abs _section_cstart, $3  }
0xc0: {  	[dreg:$0x1] =	wrdreg $0xFFFFFFFF  }
0xc1: {  	_ =	task.clear_ibuf [dreg:s6], $0x2FFFF;
	_ =	strace $0x9FFFFFFF  }
0xc2: {  	(tm) =	ssettm $0x7FFFFFFF  }
0xc3: {  	_ =	shalt  }
tec
execute0_lowered:
.L_overlay_start_1:
0x0: {  	(tag) =	ssettag $0x1  }
0x1: {  	s4 =	rddreg [dreg:$0x0]  }
0x2: {  	s2 =	rddreg [dreg:$0x1]  }
0x3: {  	s0 =	rddreg [dreg:$0x2];
	s3 =	simm.s32 $0x0;
	s1 =	stileid.u32  }
0x4: {  	s6 =	srdreg.scid;
	[smem:$0x7FF] =	sst s3;
	s5 =	sshll.u32 s1, $0x8  }
0x5: {  	s7 =	sand.u32 $0x1, s6;
	s25 =	sshll.u32 s1, $0x5;
	s26 =	sshll.u32 s1, $0x7  }
0x6: {  	s29 =	sshll.u32 s1, $0xA;
	_ =	strace $0x80000047;
	s8 =	sadd.s32 s5, s4  }
0x7: {  	s9 =	ssub.s32 $0x2, s7;
	s10 =	sadd.s32 s25, s4;
	s11 =	sadd.s32 s26, s4  }
0x8: {  	s4 =	sshll.u32 s1, $0x1;
	s6 =	sadd.s32 s29, s2;
	s12 =	sshll.u32 s7, $0xB  }
0x9: {  	s30 =	sshll.u32 s7, $0x7;
	s13 =	sshll.u32 s7, $0x4;
	s28 =	sshrl.u32 s9, $0x1  }
0xa: {  	s5 =	sadd.s32 $0x18E000, s11;
	s11 =	sadd.s32 s12, s11;
	s31 =	sadd.s32 s30, s8  }
0xb: {  	s10 =	sadd.s32 s13, s10;
	s12 =	simm.s32 $0x1;
	s13 =	simm.s32 $0x0  }
0xc: {  	s9 =	ssub.s32 s9, s28;
	s7 =	sadd.s32 $0x18E800, s11;
	s10 =	sadd.s32 $0x18AE00, s10  }
0xd: {  	s11 =	simm.s32 $0x80;
	s8 =	smax.u32 s9, $0x1;
	s9 =	sadd.s32 $0x312E00, s31  }
.LBB2_1:
0xe: {  	[tilespmem:s11], [sflag:$0x1] =	stream.linear.gather [hbm4b:s5+s3], $0x400, $0x38;
	[tilespmem:$0x880] =	vst v63  }
0xf: {  	_ =	swait.ge [sflag:s12], $0x400  }
0x10: {  	[sflag:s12] =	ssyncset.done $0x0  }
0x11: {  	[sflag:s12] =	ssyncadd.s32 $0xFFFFFC00  }
0x12: {  	[spmem:s6] =	stream.linear.scatter [tilespmem:s11], [sflag:$0x1], $0x400, $0x38;
	[tilespmem:$0x880] =	vst v63  }
0x13: {  	_ =	swait.ge [sflag:s12], $0x400  }
0x14: {  	s14 =	sadd.s32 $0x0, s4;
	[sflag:s12] =	ssyncset.done $0x0  }
0x15: {  	p0 =	sgt.u32 s14, $0x30F;
	[sflag:s12] =	ssyncadd.s32 $0xFFFFFC00  }
0x16: {  	s14 =	simm.s32 @!p0 $0x0;
	s16 =	simm.s32 @!p0 $0x2;
	[bflag:$0x0] =	sbarrier.arrive $0xFFFF  }
0x17: {  	[tilespmem:s14], [sflag:$0x2] =	stream.linear.gather @!p0 [hbm4b:s10+s14], $0x80, $0x38;
	[tilespmem:$0x880] =	vst v63  }
0x18: {  	_ =	swait.ge @!p0 [sflag:s16], $0x80  }
0x19: {  	[sflag:s16] =	ssyncset.done @!p0 $0x0;
	p0 =	por p0, p0  }
0x1a: {  	[sflag:s16] =	ssyncadd.s32 @!p0 $0xFFFFFF80;
	s18 =	simm.s32 @!p0 $0x80  }
0x1b: {  	[tilespmem:s18], [sflag:$0x2] =	stream.linear.gather @!p0 [hbm4b:s9+s14], $0x400, $0x38;
	[tilespmem:$0x880] =	vst v63  }
0x1c: {  	_ =	swait.ge @!p0 [sflag:s16], $0x400  }
0x1d: {  	[sflag:s16] =	ssyncset.done @!p0 $0x0  }
0x1e: {  	s31 =	sadd.s32 $0x20, s4;
	s17 =	simm.s32 @!p0 $0x1;
	[sflag:s16] =	ssyncadd.s32 @!p0 $0xFFFFFC00  }
0x1f: {  	[spmem:s2] =	stream.indirect.scatter.add.f32 @!p0 [tilespmem:s18], [sflag:$0x1], $0x8, s14, s18, $0xb8;
	[tilespmem:$0x880] =	vst v63  }
0x20: {  	s15 =	simm.s32 $0x40;
	p1 =	sgt.u32 s31, $0x30F;
	_ =	swait.ge @!p0 [sflag:s17], $0x400  }
0x21: {  	s16 =	sadd.s32 $0x200, s10;
	s14 =	sadd.s32 $0x1000, s9;
	[sflag:s17] =	ssyncset.done @!p0 $0x0  }
.LBB2_2:
0x22: {  	s18 =	simm.s32 @!p1 $0x0;
	s19 =	simm.s32 @!p1 $0x2;
	[sflag:s17] =	ssyncadd.s32 @!p0 $0xFFFFFC00  }
0x23: {  	[tilespmem:s18], [sflag:$0x2] =	stream.linear.gather @!p1 [hbm4b:s16+s18], $0x80, $0x38;
	[tilespmem:$0x880] =	vst v63  }
0x24: {  	s20 =	smov.u32 s15;
	s15 =	sadd.s32 $0x20, s15;
	_ =	swait.ge @!p1 [sflag:s19], $0x80  }
0x25: {  	p0 =	por p1, p1;
	p2 =	sne.s32 s15, $0x320;
	[sflag:s19] =	ssyncset.done @!p1 $0x0  }
0x26: {  	s21 =	simm.s32 @!p0 $0x80;
	[sflag:s19] =	ssyncadd.s32 @!p0 $0xFFFFFF80  }
0x27: {  	[tilespmem:s21], [sflag:$0x2] =	stream.linear.gather @!p0 [hbm4b:s14+s18], $0x400, $0x38;
	[tilespmem:$0x880] =	vst v63  }
0x28: {  	_ =	swait.ge @!p0 [sflag:s19], $0x400  }
.Ltmp0:
0x29: {  	[sflag:s19] =	ssyncset.done @!p0 $0x0;
	(pc) =	sbr.rel @p2 .LBB2_2-.Ltmp0, $4  }
0x2a: {  	s17 =	simm.s32 @!p0 $0x1;
	[sflag:s19] =	ssyncadd.s32 @!p0 $0xFFFFFC00  }
0x2b: {  	[spmem:s2] =	stream.indirect.scatter.add.f32 @!p0 [tilespmem:s21], [sflag:$0x1], $0x8, s18, s21, $0xb8;
	[tilespmem:$0x880] =	vst v63  }
0x2c: {  	s16 =	sadd.s32 $0x200, s16;
	s18 =	sadd.s32 s20, s4;
	_ =	swait.ge @!p0 [sflag:s17], $0x400  }
0x2d: {  	s14 =	sadd.s32 $0x1000, s14;
	p1 =	sgt.u32 s18, $0x30F;
	[sflag:s17] =	ssyncset.done @!p0 $0x0  }
0x2e: {  	s15 =	simm.s32 @!p1 $0x0;
	s18 =	simm.s32 @!p1 $0x2;
	[sflag:s17] =	ssyncadd.s32 @!p0 $0xFFFFFC00  }
0x2f: {  	[tilespmem:s15], [sflag:$0x2] =	stream.linear.gather @!p1 [hbm4b:s16+s15], $0x80, $0x38;
	[tilespmem:$0x880] =	vst v63  }
0x30: {  	_ =	swait.ge @!p1 [sflag:s18], $0x80  }
0x31: {  	p0 =	por p1, p1;
	[sflag:s18] =	ssyncset.done @!p1 $0x0  }
0x32: {  	s16 =	simm.s32 @!p0 $0x80;
	[sflag:s18] =	ssyncadd.s32 @!p0 $0xFFFFFF80  }
0x33: {  	[tilespmem:s16], [sflag:$0x2] =	stream.linear.gather @!p0 [hbm4b:s14+s15], $0x400, $0x38;
	[tilespmem:$0x880] =	vst v63  }
0x34: {  	_ =	swait.ge @!p0 [sflag:s18], $0x400  }
0x35: {  	[sflag:s18] =	ssyncset.done @!p0 $0x0  }
0x36: {  	s14 =	simm.s32 @!p0 $0x1;
	[sflag:s18] =	ssyncadd.s32 @!p0 $0xFFFFFC00  }
0x37: {  	[spmem:s2] =	stream.indirect.scatter.add.f32 @!p0 [tilespmem:s16], [sflag:$0x1], $0x8, s15, s16, $0xb8;
	[tilespmem:$0x880] =	vst v63  }
0x38: {  	_ =	swait.ge @!p0 [sflag:s14], $0x400  }
0x39: {  	[sflag:s14] =	ssyncset.done @!p0 $0x0  }
0x3a: {  	[sflag:s14] =	ssyncadd.s32 @!p0 $0xFFFFFC00  }
0x3b: {  	[bflag:$0x0] =	sbarrier.arrive $0xFFFF  }
0x3c: {  	[tilespmem:s11], [sflag:$0x1] =	stream.linear.gather [spmem:s6], $0x400, $0x38;
	[tilespmem:$0x880] =	vst v63  }
0x3d: {  	s13 =	sadd.s32 $0x1, s13;
	_ =	swait.ge [sflag:s12], $0x400  }
0x3e: {  	p0 =	sne.s32 s13, s8;
	[sflag:s12] =	ssyncset.done $0x0  }
.Ltmp1:
0x3f: {  	[sflag:s12] =	ssyncadd.s32 $0xFFFFFC00;
	(pc) =	sbr.rel @p0 .LBB2_1-.Ltmp1, $4  }
0x40: {  	[hbm4b:s7+s3] =	stream.linear.scatter [tilespmem:s11], [sflag:$0x1], $0x400, $0x38;
	[tilespmem:$0x880] =	vst v63  }
0x41: {  	_ =	swait.ge [sflag:s12], $0x400  }
0x42: {  	[sflag:s12] =	ssyncset.done $0x0  }
0x43: {  	[sflag:s12] =	ssyncadd.s32 $0xFFFFFC00  }
0x44: {  	_ =	sfence.sel $0x180000  }
0x45: {  	[bflag:$0x0] =	sbarrier.arrive $0xFFFF  }
0x46: {  	p0 =	sne.s32 s1, $0x0;
	_ =	strace $0x90000047  }
0x47: {  	s0 =	sadd.s32 @!p0 $0x100000, s0;
	[bflag:$0x2] =	sbarrier.arrive $0xFFFF  }
0x48: {  	[sflag:s0] =	ssyncadd.tile.s32 @!p0 $0x1;
	_ =	shalt  }
.Lfunc_end2:
_tile_overlayer_lowered:
.L_overlay_start_2:
0x49: {  	(tag) =	ssettag $0x2  }
0x4a: {  	s0 =	rddreg [dreg:$0x0];
	s2 =	stileid.u32  }
0x4b: {  	s1 =	rddreg [dreg:$0x1];
	p0 =	sne.s32 s2, $0x0  }
0x4c: {  	s3 =	rddreg [dreg:$0x2];
	[bflag:$0x3] =	sbarrier.arrive $0xFFFF;
	s2 =	simm.s32 @!p0 $0x1C01  }
0x4d: {  	[timem:s3], [sflag:s2] =	dma.local @!p0 [hbm:s0], s1  }
0x4e: {  	s0 =	simm.s32 @!p0 $0x1  }
0x4f: {  	_ =	swait.ge @!p0 [sflag:s0], s1  }
0x50: {  	s1 =	ssub.s32 @!p0 $0x0, s1;
	[sflag:s0] =	ssyncset.done @!p0 $0x0  }
0x51: {  	[sflag:s0] =	ssyncadd.s32 @!p0 s1  }
0x52: {  	[bflag:$0x3] =	sbarrier.arrive $0xFFFF  }
0x53: {  	_ =	shalt  }

// kernel: kernel.16.cloned.1.call-start
scs
__scs_entry_jumppad:
0x0: {  	(pc) =	sbr.rel $0x88, $3  }
0x1: {  	(tag) =	ssettag $0x0;
	lr =	simm.s32 $0x1  }
0x2: {  	[smem:$0x3F8B] =	sst lr;
	_ =	strace $0xD0000000  }
0x3: {  	_ = 	snop  }
0x4: {  	_ = 	snop  }
0x5: {  	_ = 	snop  }
0x6: {  	_ = 	snop  }
0x7: {  	_ = 	snop  }
__scs_overlays_trampoline_lowered:
0x8: {  	[smem:$0x3F9A] =	sst s0  }
0x9: {  	[smem:$0x3F9B] =	sst s1  }
0xa: {  	[smem:$0x3F9C] =	sst s2  }
0xb: {  	[smem:$0x3F9D] =	sst s3  }
0xc: {  	[smem:$0x3F9E] =	sst s4  }
0xd: {  	[smem:$0x3F9F] =	sst s5  }
0xe: {  	[smem:$0x3FA0] =	sst s6  }
0xf: {  	[smem:$0x3FA1] =	sst s7  }
0x10: {  	[smem:$0x3FA2] =	sst s8  }
0x11: {  	[smem:$0x3FA3] =	sst s9;
	s0 =	simm.s32 @!p0 $0x0  }
0x12: {  	s1 =	sld [smem:$0x3F89];
	s0 =	simm.s32 @p0 $0x1  }
0x13: {  	[smem:$0x3FA4] =	sst s0;
	s0 =	simm.s32 @!p1 $0x0  }
0x14: {  	s2 =	sld [smem:$0x3F88];
	s0 =	simm.s32 @p1 $0x1  }
0x15: {  	[smem:$0x3FA5] =	sst s0;
	s0 =	simm.s32 @!p2 $0x0  }
0x16: {  	s3 =	sld [smem:$0x3FDB];
	s0 =	simm.s32 @p2 $0x1  }
0x17: {  	s4 =	simm.s32 $0x1BF5;
	[smem:$0x3FA7] =	sst s0  }
0x18: {  	s0 =	sld [smem:$0x3F8A];
	_ =	swait.ge [sflag:s4], $0x0  }
0x19: {  	s7 =	sld [smem:$0x3F8B]  }
0x1a: {  	s8 =	sadd.s32 $0xFFFFE003, lr  }
0x1b: {  	s9 =	sadd.s32 $0xFFFFFEF7, lr;
	s5 =	simm.s32 $0xFFFFFFFF;
	p2 =	slt.u32 s8, $0xFFFFF086  }
0x1c: {  	p1 =	slt.u32 s9, $0xF7A;
	s5 =	simm.s32 @!p2 $0x0  }
0x1d: {  	s5 =	simm.s32 @p1 $0x1;
	p0 =	seq.s32 s7, s2  }
0x1e: {  	s7 =	smul.u32 @!p0 $0xF7A, s2;
	p2 =	seq.s32 @!p0 s5, $0x0  }
0x1f: {  	s9 =	smul.u32 $0xF7A, s1;
	s8 =	simm.s32 @!p0 $0x1BF5;
	p2 =	por !p2, p0  }
0x20: {  	[sflag:s8] =	ssyncset.s32 @!p0 $0xFFFFF086;
	s6 =	sadd.s32 @!p0 s3, s7;
	s7 =	simm.s32 @!p0 $0x108  }
0x21: {  	s3 =	sadd.s32 s3, s9;
	s6 =	sadd.s32 @!p0 $0x88, s6;
	s7 =	simm.s32 @p2 $0x1082  }
0x22: {  	[simem:s7], [sflag:s8] =	dma.local @!p0 [hbm:s6], $0xF7A  }
0x23: {  	s9 =	sor.u32 $0xD0000000, s2;
	s6 =	simm.s32 $0x108;
	_ =	swait.ge @!p0 [sflag:s8], $0x0  }
0x24: {  	s3 =	sadd.s32 $0x88, s3;
	s6 =	simm.s32 @!p1 $0x1082;
	[sflag:s4] =	ssyncset.s32 $0xFFFFF086  }
0x25: {  	[simem:s6], [sflag:s4] =	dma.local [hbm:s3], $0xF7A  }
0x26: {  	[smem:$0x3F8B] =	sst s1;
	(tag) =	ssettag s2;
	_ =	strace s9  }
0x27: {  	s1 =	sld [smem:$0x3F9B]  }
0x28: {  	s2 =	sld [smem:$0x3F9C]  }
0x29: {  	s4 =	sld [smem:$0x3F9E]  }
0x2a: {  	p0 =	seq.s32 s5, $0x0;
	s5 =	sld [smem:$0x3F9F]  }
0x2b: {  	s6 =	sld [smem:$0x3FA0]  }
0x2c: {  	s7 =	sld [smem:$0x3FA1]  }
0x2d: {  	s3 =	simm.s32 $0x108;
	s8 =	sld [smem:$0x3FA2]  }
0x2e: {  	s3 =	simm.s32 @!p0 $0x1082;
	s9 =	sld [smem:$0x3FA3]  }
0x2f: {  	lr =	sadd.s32 s0, s3;
	s0 =	sld [smem:$0x3F9A]  }
0x30: {  	s3 =	sld [smem:$0x3F9D]  }
0x31: {  	[smem:$0x3FA6] =	sst s10  }
0x32: {  	s10 =	sld [smem:$0x3FA4];
	_ =	sdelay $0x3  }
0x33: {  	p0 =	seq.s32 s10, $0x1;
	s10 =	sld [smem:$0x3FA6];
	_ =	sdelay $0x3  }
0x34: {  	[smem:$0x3FA6] =	sst s10  }
0x35: {  	s10 =	sld [smem:$0x3FA5];
	_ =	sdelay $0x3  }
0x36: {  	p1 =	seq.s32 s10, $0x1;
	s10 =	sld [smem:$0x3FA6];
	_ =	sdelay $0x3  }
0x37: {  	[smem:$0x3FA6] =	sst s10  }
0x38: {  	s10 =	sld [smem:$0x3FA7]  }
0x39: {  	_ = 	snop;
	(pc) =	sbr.ind lr, $3  }
0x3a: {  	_ = 	snop  }
0x3b: {  	_ = 	snop  }
0x3c: {  	p2 =	seq.s32 s10, $0x1;
	s10 =	sld [smem:$0x3FA6]  }
0x3d: {  	_ =	shalt  }
0x3e: {  	_ =	shalt  }
0x3f: {  	_ =	shalt  }
0x40: {  	_ =	shalt  }
0x41: {  	_ =	shalt  }
0x42: {  	_ =	shalt  }
0x43: {  	_ =	shalt  }
0x44: {  	_ =	shalt  }
0x45: {  	_ =	shalt  }
0x46: {  	_ =	shalt  }
0x47: {  	_ =	shalt  }
0x48: {  	_ =	shalt  }
0x49: {  	_ =	shalt  }
0x4a: {  	_ =	shalt  }
0x4b: {  	_ =	shalt  }
0x4c: {  	_ =	shalt  }
0x4d: {  	_ =	shalt  }
0x4e: {  	_ =	shalt  }
0x4f: {  	_ =	shalt  }
0x50: {  	_ =	shalt  }
0x51: {  	_ =	shalt  }
0x52: {  	_ =	shalt  }
0x53: {  	_ =	shalt  }
0x54: {  	_ =	shalt  }
0x55: {  	_ =	shalt  }
0x56: {  	_ =	shalt  }
0x57: {  	_ =	shalt  }
0x58: {  	_ =	shalt  }
0x59: {  	_ =	shalt  }
0x5a: {  	_ =	shalt  }
0x5b: {  	_ =	shalt  }
0x5c: {  	_ =	shalt  }
0x5d: {  	_ =	shalt  }
0x5e: {  	_ =	shalt  }
0x5f: {  	_ =	shalt  }
0x60: {  	_ =	shalt  }
0x61: {  	_ =	shalt  }
0x62: {  	_ =	shalt  }
0x63: {  	_ =	shalt  }
0x64: {  	_ =	shalt  }
0x65: {  	_ =	shalt  }
0x66: {  	_ =	shalt  }
0x67: {  	_ =	shalt  }
0x68: {  	_ =	shalt  }
0x69: {  	_ =	shalt  }
0x6a: {  	_ =	shalt  }
0x6b: {  	_ =	shalt  }
0x6c: {  	_ =	shalt  }
0x6d: {  	_ =	shalt  }
0x6e: {  	_ =	shalt  }
0x6f: {  	_ =	shalt  }
0x70: {  	_ =	shalt  }
0x71: {  	_ =	shalt  }
0x72: {  	_ =	shalt  }
0x73: {  	_ =	shalt  }
0x74: {  	_ =	shalt  }
0x75: {  	_ =	shalt  }
0x76: {  	_ =	shalt  }
0x77: {  	_ =	shalt  }
0x78: {  	_ =	shalt  }
0x79: {  	_ =	shalt  }
0x7a: {  	_ =	shalt  }
0x7b: {  	_ =	shalt  }
0x7c: {  	_ =	shalt  }
0x7d: {  	_ =	shalt  }
0x7e: {  	_ =	shalt  }
0x7f: {  	_ =	shalt  }
0x80: {  	_ =	shalt  }
0x81: {  	_ =	shalt  }
0x82: {  	_ =	shalt  }
0x83: {  	_ =	shalt  }
0x84: {  	_ =	shalt  }
0x85: {  	_ =	shalt  }
0x86: {  	_ =	shalt  }
0x87: {  	_ =	shalt  }
.Lfunc_end0:
.L_simem_size_0:
called_computation.2_lowered:
.L_overlay_start_0:
0x88: {  	s2 =	sld [smem:$0x3FD9]  }
0x89: {  	s3 =	sld [smem:$0x3FFE];
	_ =	sdelay $0x1  }
0x8a: {  	s1 =	srdreg.scid  }
0x8b: {  	s0 =	sand.u32 $0x1, s1  }
0x8c: {  	s17 =	sshll.u32 s0, $0xA;
	s2 =	sadd.s32 s3, s2  }
0x8d: {  	s2 =	sadd.s32 s2, s17  }
0x8e: {  	[smem:$0x3FB2] =	sst s2  }
0x8f: {  	_ = 	snop  }
0x90: {  	(tm) =	ssettm $0x1  }
0x91: {  	s18 =	sld [smem:$0x3FFB];
	_ =	sdelay $0x3  }
0x92: {  	_ =	strace s18  }
0x93: {  	s2 =	sld [smem:$0x3FFC];
	_ =	sdelay $0x3  }
0x94: {  	_ =	strace s2  }
0x95: {  	s2 =	sld [smem:$0x3FFD];
	_ =	sdelay $0x3  }
0x96: {  	_ =	strace s2  }
0x97: {  	_ =	strace $0x8FFFFFFF  }
0x98: {  	s19 =	sld [smem:$0x3FDB];
	_ =	sdelay $0x1  }
0x99: {  	s20 =	simm.s32 $_scs_section_size  }
0x9a: {  	s4 =	simm.s32 $_size__tile_overlayer_lowered;
	s5 =	simm.s32 $_tile_overlayer_lowered  }
0x9b: {  	s6 =	simm.s32 $0x1BFF;
	s21 =	sshll.u32 s5, $0x1;
	s3 =	sadd.s32 s20, s19  }
0x9c: {  	s22 =	simm.s32 $0x0;
	s4 =	sshll.u32 s4, $0x1;
	s5 =	sadd.s32 s21, s3  }
0x9d: {  	[timem:s22], [sflag:s6] =	dma.local [hbm:s5], s4  }
0x9e: {  	_ =	swait.ge [sflag:s6], s4  }
0x9f: {  	s4 =	ssub.s32 $0x0, s4;
	[sflag:s6] =	ssyncset.done $0x0  }
0xa0: {  	[sflag:s6] =	ssyncadd.s32 s4;
	_ =	sdelay $0x1  }
0xa1: {  	s23 =	simm.s32 $0x1B8B  }
0xa2: {  	_ =	swait.ge [sflag:s23], $0x1  }
0xa3: {  	[sflag:s23] =	ssyncset.done $0x0  }
0xa4: {  	[sflag:s23] =	ssyncadd.s32 $0xFFFFFFFF  }
0xa5: {  	s4 =	sld [smem:$0x0]  }
0xa6: {  	s5 =	sand.u32 $0xFFFFFFFE, s1  }
0xa7: {  	p0 =	sne.s32 s1, s5  }
0xa8: {  	s5 =	sshll.u32 @p0 s5, $0xE  }
0xa9: {  	s5 =	sadd.s32 @p0 $0x11B8D, s5;
	s6 =	sshll.u32 @p0 s4, $0x11  }
0xaa: {  	s5 =	sor.u32 @p0 s6, s5  }
0xab: {  	[sflag:s5] =	ssyncadd.remote.s32 @p0 $0x1;
	_ =	sdelay $0x1  }
0xac: {  	s5 =	simm.s32 @p0 $0x1B8D  }
0xad: {  	_ =	swait.eq @p0 [sflag:s5], $0x1  }
0xae: {  	[sflag:s5] =	ssyncadd.s32 @p0 $0xFFFFFFFF  }
0xaf: {  	s6 =	sshll.u32 @!p0 s1, $0xE  }
0xb0: {  	s6 =	sor.u32 @!p0 $0x4000, s6;
	s5 =	simm.s32 @!p0 $0x1B8D  }
0xb1: {  	s4 =	sshll.u32 @!p0 s4, $0x11;
	s6 =	sadd.s32 @!p0 $0x11B8D, s6;
	_ =	swait.eq @!p0 [sflag:s5], $0x1  }
0xb2: {  	s4 =	sor.u32 @!p0 s4, s6;
	[sflag:s5] =	ssyncadd.s32 @!p0 $0xFFFFFFFF  }
0xb3: {  	s25 =	simm.s32 $0x1B8E;
	s24 =	sld [smem:$0x3FFE];
	[sflag:s4] =	ssyncadd.remote.s32 @!p0 $0x1  }
0xb4: {  	s26 =	simm.s32 $execute0_lowered;
	[smem:$0x3FD2] =	sst s25  }
0xb5: {  	s5 =	sshll.u32 s26, $0x1;
	_ =	strace $0x8000004C;
	[dreg:$0x1] =	wrdreg $0xFFFFFFFF  }
0xb6: {  	s28 =	simm.s32 $_size_execute0_lowered;
	s3 =	sadd.s32 s3, s5;
	[dreg:$0x0] =	wrdreg $0x0  }
0xb7: {  	s5 =	sshll.u32 s28, $0x1;
	[dreg:$0x2] =	wrdreg s3  }
0xb8: {  	[dreg:$0x3] =	wrdreg s5  }
0xb9: {  	[dreg:$0x4] =	wrdreg $0xC0  }
0xba: {  	_ =	task [dreg:s22], $0x5FFFF  }
0xbb: {  	[dreg:$0x1] =	wrdreg $0xFFFFFFFF  }
0xbc: {  	[dreg:$0x0] =	wrdreg $0x60  }
0xbd: {  	[dreg:$0x2] =	wrdreg s24  }
0xbe: {  	[dreg:$0x3] =	wrdreg $0xA  }
0xbf: {  	_ =	task.clear_ibuf [dreg:s22], $0x4FFFF;
	_ =	strace $0x9000004C  }
0xc0: {  	s29 =	simm.s32 $0xA;
	_ =	strace $0x8000004E  }
0xc1: {  	_ =	swait.ge [sflag:s29], $0x1  }
0xc2: {  	[sflag:s29] =	ssyncadd.s32 $0xFFFFFFFF  }
0xc3: {  	_ =	strace $0x9000004E  }
0xc4: {  	_ =	sfence  }
0xc5: {  	s30 =	sld [smem:$0x0];
	_ =	sdelay $0x2  }
0xc6: {  	s31 =	sshll.u32 s1, $0xD;
	s1 =	sshrl.u32 s1, $0x2  }
0xc7: {  	s4 =	sand.u32 $0x4000, s31;
	s1 =	sadd.s32 s1, s30  }
0xc8: {  	s0 =	sor.u32 s4, s0;
	s1 =	sshll.u32 s1, $0x11  }
0xc9: {  	s0 =	sor.u32 s1, s0  }
0xca: {  	s0 =	sadd.s32 $0x8F2B, s0  }
0xcb: {  	[sflag:s0] =	ssyncadd.remote.s32 $0x1  }
0xcc: {  	_ =	sfence.sel $0xFFFF  }
0xcd: {  	[dreg:$0x0] =	wrdreg $0xFFFFFFFF;
	(pc) =	sbr.abs _section_cstart, $3  }
0xce: {  	[dreg:$0x1] =	wrdreg $0xFFFFFFFF  }
0xcf: {  	_ =	task.clear_ibuf [dreg:s22], $0x2FFFF;
	_ =	strace $0x9FFFFFFF  }
0xd0: {  	(tm) =	ssettm $0x7FFFFFFF  }
0xd1: {  	_ =	shalt  }
tec
execute0_lowered:
.L_overlay_start_1:
0x0: {  	(tag) =	ssettag $0x1  }
0x1: {  	s4 =	rddreg [dreg:$0x0]  }
0x2: {  	s0 =	rddreg [dreg:$0x1];
	s1 =	simm.s32 $0x0;
	s5 =	srdreg.scid  }
0x3: {  	s2 =	stileid.u32;
	[smem:$0x7FF] =	sst s1  }
0x4: {  	s3 =	sadd.s32 $0x18E000, s4;
	s5 =	sand.u32 $0x1, s5;
	s6 =	sshll.u32 s2, $0x5  }
0x5: {  	s7 =	sshll.u32 s2, $0x9;
	_ =	strace $0x8000004D;
	s8 =	ssub.s32 $0x2, s5  }
0x6: {  	s6 =	sadd.s32 s6, s4;
	s7 =	sadd.s32 s7, s4;
	s9 =	sshll.u32 s5, $0x8  }
0x7: {  	s5 =	sshll.u32 s5, $0x4;
	s4 =	sshll.u32 s2, $0x1;
	s30 =	sshrl.u32 s8, $0x1  }
0x8: {  	s7 =	sadd.s32 s9, s7;
	s31 =	sadd.s32 s5, s6;
	s8 =	ssub.s32 s8, s30  }
0x9: {  	s6 =	sadd.s32 $0x279800, s7;
	s7 =	sadd.s32 $0x18AE00, s31;
	s5 =	smax.u32 s8, $0x1  }
.LBB2_1:
0xa: {  	s8 =	sadd.s32 $0x0, s4  }
0xb: {  	p0 =	sgt.u32 s8, $0x30F  }
0xc: {  	s8 =	simm.s32 @!p0 $0x0;
	s9 =	simm.s32 @!p0 $0x3  }
0xd: {  	[tilespmem:s8], [sflag:$0x3] =	stream.linear.gather @!p0 [hbm4b:s7+s8], $0x80, $0x38;
	[tilespmem:$0x880] =	vst v63  }
0xe: {  	_ =	swait.ge @!p0 [sflag:s9], $0x80  }
0xf: {  	[sflag:s9] =	ssyncset.done @!p0 $0x0;
	p0 =	por p0, p0  }
0x10: {  	[sflag:s9] =	ssyncadd.s32 @!p0 $0xFFFFFF80;
	s10 =	simm.s32 @!p0 $0x80;
	s11 =	simm.s32 @!p0 $0x1  }
0x11: {  	[tilespmem:s10], [sflag:$0x1] =	stream.indirect.gather @!p0 [hbm4b:s3+s10], $0x10, s8, s10, $0xb8;
	[tilespmem:$0x880] =	vst v63  }
0x12: {  	_ =	swait.ge @!p0 [sflag:s11], $0x800  }
0x13: {  	[sflag:s11] =	ssyncset.done @!p0 $0x0  }
0x14: {  	s31 =	sadd.s32 $0x20, s4;
	[sflag:s11] =	ssyncadd.s32 @!p0 $0xFFFFF800;
	s11 =	simm.s32 @!p0 $0x2  }
0x15: {  	[hbm4b:s6+s8] =	stream.linear.scatter @!p0 [tilespmem:s10], [sflag:$0x2], $0x800, $0x38;
	[tilespmem:$0x880] =	vst v63  }
0x16: {  	p1 =	sgt.u32 s31, $0x30F;
	s9 =	simm.s32 $0x40;
	_ =	swait.ge @!p0 [sflag:s11], $0x800  }
0x17: {  	s10 =	sadd.s32 $0x200, s7;
	s8 =	sadd.s32 $0x2000, s6;
	[sflag:s11] =	ssyncset.done @!p0 $0x0  }
.LBB2_2:
0x18: {  	s12 =	simm.s32 @!p1 $0x0;
	s13 =	simm.s32 @!p1 $0x3;
	[sflag:s11] =	ssyncadd.s32 @!p0 $0xFFFFF800  }
0x19: {  	[tilespmem:s12], [sflag:$0x3] =	stream.linear.gather @!p1 [hbm4b:s10+s12], $0x80, $0x38;
	[tilespmem:$0x880] =	vst v63  }
0x1a: {  	s14 =	smov.u32 s9;
	s9 =	sadd.s32 $0x20, s9;
	_ =	swait.ge @!p1 [sflag:s13], $0x80  }
0x1b: {  	p0 =	por p1, p1;
	p2 =	sne.s32 s9, $0x320;
	[sflag:s13] =	ssyncset.done @!p1 $0x0  }
0x1c: {  	s11 =	simm.s32 @!p0 $0x1;
	[sflag:s13] =	ssyncadd.s32 @!p0 $0xFFFFFF80;
	s13 =	simm.s32 @!p0 $0x80  }
0x1d: {  	[tilespmem:s13], [sflag:$0x1] =	stream.indirect.gather @!p0 [hbm4b:s3+s13], $0x10, s12, s13, $0xb8;
	[tilespmem:$0x880] =	vst v63  }
0x1e: {  	_ =	swait.ge @!p0 [sflag:s11], $0x800  }
.Ltmp0:
0x1f: {  	[sflag:s11] =	ssyncset.done @!p0 $0x0;
	(pc) =	sbr.rel @p2 .LBB2_2-.Ltmp0, $4  }
0x20: {  	[sflag:s11] =	ssyncadd.s32 @!p0 $0xFFFFF800;
	s11 =	simm.s32 @!p0 $0x2  }
0x21: {  	[hbm4b:s8+s12] =	stream.linear.scatter @!p0 [tilespmem:s13], [sflag:$0x2], $0x800, $0x38;
	[tilespmem:$0x880] =	vst v63  }
0x22: {  	s10 =	sadd.s32 $0x200, s10;
	s12 =	sadd.s32 s14, s4;
	_ =	swait.ge @!p0 [sflag:s11], $0x800  }
0x23: {  	s8 =	sadd.s32 $0x2000, s8;
	p1 =	sgt.u32 s12, $0x30F;
	[sflag:s11] =	ssyncset.done @!p0 $0x0  }
0x24: {  	s9 =	simm.s32 @!p1 $0x0;
	s12 =	simm.s32 @!p1 $0x3;
	[sflag:s11] =	ssyncadd.s32 @!p0 $0xFFFFF800  }
0x25: {  	[tilespmem:s9], [sflag:$0x3] =	stream.linear.gather @!p1 [hbm4b:s10+s9], $0x80, $0x38;
	[tilespmem:$0x880] =	vst v63  }
0x26: {  	_ =	swait.ge @!p1 [sflag:s12], $0x80  }
0x27: {  	p0 =	por p1, p1;
	[sflag:s12] =	ssyncset.done @!p1 $0x0  }
0x28: {  	s10 =	simm.s32 @!p0 $0x80;
	s11 =	simm.s32 @!p0 $0x1;
	[sflag:s12] =	ssyncadd.s32 @!p0 $0xFFFFFF80  }
0x29: {  	[tilespmem:s10], [sflag:$0x1] =	stream.indirect.gather @!p0 [hbm4b:s3+s10], $0x10, s9, s10, $0xb8;
	[tilespmem:$0x880] =	vst v63  }
0x2a: {  	s1 =	sadd.s32 $0x1, s1;
	_ =	swait.ge @!p0 [sflag:s11], $0x800  }
0x2b: {  	p1 =	sne.s32 s1, s5;
	[sflag:s11] =	ssyncset.done @!p0 $0x0  }
.Ltmp1:
0x2c: {  	[sflag:s11] =	ssyncadd.s32 @!p0 $0xFFFFF800;
	s11 =	simm.s32 @!p0 $0x2;
	(pc) =	sbr.rel @p1 .LBB2_1-.Ltmp1, $4  }
0x2d: {  	[hbm4b:s8+s9] =	stream.linear.scatter @!p0 [tilespmem:s10], [sflag:$0x2], $0x800, $0x38;
	[tilespmem:$0x880] =	vst v63  }
0x2e: {  	_ =	swait.ge @!p0 [sflag:s11], $0x800  }
0x2f: {  	[sflag:s11] =	ssyncset.done @!p0 $0x0  }
0x30: {  	[sflag:s11] =	ssyncadd.s32 @!p0 $0xFFFFF800  }
0x31: {  	_ =	sfence.sel $0x180000  }
0x32: {  	[bflag:$0x0] =	sbarrier.arrive $0xFFFF  }
0x33: {  	p0 =	sne.s32 s2, $0x0;
	_ =	strace $0x9000004D  }
0x34: {  	s0 =	sadd.s32 @!p0 $0x100000, s0;
	[bflag:$0x2] =	sbarrier.arrive $0xFFFF  }
0x35: {  	[sflag:s0] =	ssyncadd.tile.s32 @!p0 $0x1;
	_ =	shalt  }
.Lfunc_end2:
_tile_overlayer_lowered:
.L_overlay_start_2:
0x36: {  	(tag) =	ssettag $0x2  }
0x37: {  	s0 =	rddreg [dreg:$0x0];
	s2 =	stileid.u32  }
0x38: {  	s1 =	rddreg [dreg:$0x1];
	p0 =	sne.s32 s2, $0x0  }
0x39: {  	s3 =	rddreg [dreg:$0x2];
	[bflag:$0x3] =	sbarrier.arrive $0xFFFF;
	s2 =	simm.s32 @!p0 $0x1C02  }
0x3a: {  	[timem:s3], [sflag:s2] =	dma.local @!p0 [hbm:s0], s1  }
0x3b: {  	s0 =	simm.s32 @!p0 $0x2  }
0x3c: {  	_ =	swait.ge @!p0 [sflag:s0], s1  }
0x3d: {  	s1 =	ssub.s32 @!p0 $0x0, s1;
	[sflag:s0] =	ssyncset.done @!p0 $0x0  }
0x3e: {  	[sflag:s0] =	ssyncadd.s32 @!p0 s1  }
0x3f: {  	[bflag:$0x3] =	sbarrier.arrive $0xFFFF  }
0x40: {  	_ =	shalt  }

</sc_bundles>
